<compile_context>
chip_gen: v7x
topology: tpu7x:2x2x1
jax: 0.10.2.dev20260603
libtpu: 0.0.44.dev20260713+nightly
codegen_flags: <defaults>
</compile_context>

<pallas_src>
import functools

import jax
import jax.numpy as jnp
from jax import lax
from jax.experimental import pallas as pl
from jax.experimental.pallas import tpu as pltpu
from jax.experimental.pallas import tpu_sc as plsc

RES = 32
LAYERS = 8
B = 1024
N = 2048

NUM_CORES = 2
NUM_SUBCORES = 16
LANES = 16
NW = NUM_CORES * NUM_SUBCORES
ROWS_PER_W = B // NW
OUT_ROW = LAYERS * (RES - 1)

HB = N // 2
GS = HB // 4
GRPMASK = ~(3 * GS)

TSTEP = 1.0 / (RES - 1)


def _body(b_hbm, d_hbm, out_hbm, b0_v, b1_v, d0_v, d1_v, o0_v, o1_v, mark_v,
          semb0, semd0, semb1, semd1, semo0, semo1):
    wid = lax.axis_index("s") * NUM_CORES + lax.axis_index("c")
    iv = lax.iota(jnp.int32, LANES)
    lane_lt8 = iv < 8
    lane_ge8 = iv >= 8
    base_row = wid * ROWS_PER_W
    bufs = ((b0_v, d0_v, o0_v, semb0, semd0, semo0),
            (b1_v, d1_v, o1_v, semb1, semd1, semo1))

    def in_copy(s, p):
        b_v, d_v, _, sb, sd, _ = bufs[p]
        return (pltpu.make_async_copy(b_hbm.at[s], b_v, sb),
                pltpu.make_async_copy(d_hbm.at[s], d_v, sd))

    def out_copy(s, p):
        _, _, o_v, _, _, so = bufs[p]
        return pltpu.make_async_copy(o_v, out_hbm.at[s], so)

    def merge_top(rbk, rbi, cb, cidx):
        sbk, sbi = plsc.sort_key_val(cb, cidx, descending=False)
        takeb = rbk >= sbk
        hk = jnp.where(takeb, rbk, sbk)
        hi = jnp.where(takeb, rbi, sbi)
        return plsc.sort_key_val(hk, hi, descending=True)

    def merge_bot(rdk, rdi, cd, cidx):
        sdk, sdi = plsc.sort_key_val(cd, cidx, descending=True)
        taked = rdk <= sdk
        hk = jnp.where(taked, rdk, sdk)
        hi = jnp.where(taked, rdi, sdi)
        return plsc.sort_key_val(hk, hi, descending=False)

    rbk0 = jnp.full((LANES,), -1e30, jnp.float32)
    rdk0 = jnp.full((LANES,), 1e30, jnp.float32)
    ri0 = jnp.zeros((LANES,), jnp.int32)

    def do_row(j, s, p):
        b_v, d_v, out_v = bufs[p][0], bufs[p][1], bufs[p][2]
        for c in in_copy(s, p):
            c.wait()

        def do_chunk(k, carry):
            rbkA, rbiA, rdkA, rdiA, rbkB, rbiB, rdkB, rdiB = carry
            base = k * LANES
            cidx = base + iv
            out = []
            for h, (rbk_, rbi_, rdk_, rdi_) in enumerate(
                    ((rbkA, rbiA, rdkA, rdiA), (rbkB, rbiB, rdkB, rdiB))):
                hb = h * HB + base
                c0 = b_v[pl.ds(hb, LANES)]
                c1 = b_v[pl.ds(hb + GS, LANES)]
                c2 = b_v[pl.ds(hb + 2 * GS, LANES)]
                c3 = b_v[pl.ds(hb + 3 * GS, LANES)]
                w01 = jnp.maximum(c0, c1)
                i01 = jnp.where(c0 >= c1, 0, GS)
                w23 = jnp.maximum(c2, c3)
                i23 = jnp.where(c2 >= c3, 2 * GS, 3 * GS)
                m = jnp.maximum(w01, w23)
                im = jnp.where(w01 >= w23, i01, i23)
                rbk_, rbi_ = merge_top(rbk_, rbi_, m, cidx + h * HB + im)
                e0 = d_v[pl.ds(hb, LANES)]
                e1 = d_v[pl.ds(hb + GS, LANES)]
                e2 = d_v[pl.ds(hb + 2 * GS, LANES)]
                e3 = d_v[pl.ds(hb + 3 * GS, LANES)]
                v01 = jnp.minimum(e0, e1)
                j01 = jnp.where(e0 <= e1, 0, GS)
                v23 = jnp.minimum(e2, e3)
                j23 = jnp.where(e2 <= e3, 2 * GS, 3 * GS)
                mn = jnp.minimum(v01, v23)
                jm = jnp.where(v01 <= v23, j01, j23)
                rdk_, rdi_ = merge_bot(rdk_, rdi_, mn, cidx + h * HB + jm)
                out += [rbk_, rbi_, rdk_, rdi_]
            return tuple(out)

        (rbk, rbi, rdk, rdi, rbk1, rbi1, rdk1, rdi1) = plsc.parallel_loop(
            0, GS // LANES, unroll=4,
            carry=(rbk0, ri0, rdk0, ri0) * 2)(do_chunk)
        rbk, rbi = merge_top(rbk, rbi, lax.rev(rbk1, (0,)), lax.rev(rbi1, (0,)))
        rdk, rdi = merge_bot(rdk, rdi, lax.rev(rdk1, (0,)), lax.rev(rdi1, (0,)))

        grp_b = rbi & GRPMASK
        grp_b_r = lax.rev(grp_b, (0,))
        caA = jnp.where(lane_lt8, grp_b, grp_b_r + GS)
        caB = jnp.where(lane_lt8, grp_b + 2 * GS, grp_b_r + 3 * GS)
        vaA = plsc.load_gather(b_v, [caA])
        vaB = plsc.load_gather(b_v, [caB])
        sAk, sAi = plsc.sort_key_val(vaA, caA, descending=True)
        sBk, sBi = plsc.sort_key_val(vaB, caB, descending=False)
        tk = sAk >= sBk
        hk = jnp.where(tk, sAk, sBk)
        hi = jnp.where(tk, sAi, sBi)
        tbk, tbi = plsc.sort_key_val(hk, hi, descending=True)

        grp_d = rdi & GRPMASK
        grp_d_r = lax.rev(grp_d, (0,))
        cdA = jnp.where(lane_lt8, grp_d, grp_d_r + GS)
        cdB = jnp.where(lane_lt8, grp_d + 2 * GS, grp_d_r + 3 * GS)
        vdA = plsc.load_gather(d_v, [cdA])
        vdB = plsc.load_gather(d_v, [cdB])
        uAk, uAi = plsc.sort_key_val(vdA, cdA, descending=False)
        uBk, uBi = plsc.sort_key_val(vdB, cdB, descending=True)
        td = uAk <= uBk
        hk = jnp.where(td, uAk, uBk)
        hi = jnp.where(td, uAi, uBi)
        tdk, tdi = plsc.sort_key_val(hk, hi, descending=False)

        cand_idx = jnp.where(lane_lt8, tbi, lax.rev(tdi, (0,)))

        plsc.store_scatter(mark_v, [cand_idx], jnp.full((LANES,), 99, jnp.int32))
        plsc.store_scatter(mark_v, [cand_idx], iv, mask=lane_lt8)
        marks = plsc.load_gather(mark_v, [cand_idx])
        dup = lane_ge8 & (marks < 8)

        bc = plsc.load_gather(b_v, [cand_idx])
        dc = plsc.load_gather(d_v, [cand_idx])

        @pl.when(j < ROWS_PER_W // 2 - 1)
        def _prefetch():
            for c in in_copy(s + 2, p):
                c.start()

        @pl.when(j >= 1)
        def _drain_out():
            out_copy(s - 2, p).wait()

        obl = jnp.minimum(iv, 7) * (RES - 1)
        bcm = jnp.where(dup, -9.0, bc)
        dcm = jnp.where(dup, 9.0, dc)

        def do_t(r):
            tr = r.astype(jnp.float32) * TSTEP
            v = jnp.maximum(jnp.maximum(bcm - tr, tr - dcm), 0.0)
            sv, _sv2 = plsc.sort_key_val(v, v, descending=True)
            plsc.store_scatter(out_v, [obl + r], sv, mask=lane_lt8)

        plsc.parallel_loop(0, RES - 1, unroll=4)(do_t)

        out_copy(s, p).start()

    def do_pair(j, carry_unused):
        s0 = base_row + 2 * j
        do_row(j, s0, 0)
        do_row(j, s0 + 1, 1)
        return carry_unused

    for c in in_copy(base_row, 0) + in_copy(base_row + 1, 1):
        c.start()
    lax.fori_loop(0, ROWS_PER_W // 2, do_pair, 0)
    out_copy(base_row + ROWS_PER_W - 2, 0).wait()
    out_copy(base_row + ROWS_PER_W - 1, 1).wait()


@jax.jit
def kernel(b, d):
    mesh = plsc.VectorSubcoreMesh(
        core_axis_name="c", subcore_axis_name="s",
        num_cores=NUM_CORES, num_subcores=NUM_SUBCORES)
    out = pl.kernel(
        _body,
        out_type=jax.ShapeDtypeStruct((B, OUT_ROW), jnp.float32),
        mesh=mesh,
        compiler_params=pltpu.CompilerParams(needs_layout_passes=False),
        scratch_types=[
            pltpu.VMEM((N,), jnp.float32),
            pltpu.VMEM((N,), jnp.float32),
            pltpu.VMEM((N,), jnp.float32),
            pltpu.VMEM((N,), jnp.float32),
            pltpu.VMEM((OUT_ROW,), jnp.float32),
            pltpu.VMEM((OUT_ROW,), jnp.float32),
            pltpu.VMEM((N,), jnp.int32),
            pltpu.SemaphoreType.DMA,
            pltpu.SemaphoreType.DMA,
            pltpu.SemaphoreType.DMA,
            pltpu.SemaphoreType.DMA,
            pltpu.SemaphoreType.DMA,
            pltpu.SemaphoreType.DMA,
        ],
    )(b, d)
    return out.reshape(B, LAYERS, RES - 1)

# --- scband reference (transcript-rebuilt; emitter-appended) ---
"""Pipeline reference for scband-model-rbfpl-83348135346738 (READ-ONLY COPY).

The authoritative reference and input builder live on the scoring server;
editing this copy changes nothing except your own understanding.
"""

import jax, jax.numpy as jnp
import numpy as np

RES = 32
LAYERS = 8
B = 1024
N = 2048

def setup_inputs(seed: int = 0) -> dict:
    key = jax.random.key(seed)
    k1, k2 = jax.random.split(key)
    b = jax.random.uniform(k1, (B, N), dtype=jnp.float32)
    d = jax.random.uniform(k2, (B, N), dtype=jnp.float32)
    return {"b": b, "d": d}

def reference(b, d):
    # PersistenceLandscapes.forward: tent functions + ReLU + topk masking along interval axis
    t = jnp.linspace(0.0, 1.0, RES)[: RES - 1]  # [RES-1]
    tents = jnp.maximum(b[..., None] - t, t - d[..., None])  # [B, N, RES-1]
    tents = jax.nn.relu(tents)
    # torch.topk(tents, LAYERS, axis=1, largest=True, sorted=True)
    tents_t = jnp.moveaxis(tents, 1, -1)  # [B, RES-1, N]
    vals, _ = jax.lax.top_k(tents_t, LAYERS)  # [B, RES-1, LAYERS], sorted descending
    out = jnp.moveaxis(vals, -1, 1)  # [B, LAYERS, RES-1]
    return out

if __name__ == "__main__":
    import jax
    _d = setup_inputs()
    print(jax.jit(kernel)(*tuple(_d.values())))

</pallas_src>

<mosaic_0001>
#map = affine_map<(d0, d1) -> (0, 0)>
module attributes {stable_mosaic.version = 14 : i64} {
  func.func @_body(%arg0: i32, %arg1: i32, %arg2: memref<1024x2048xf32, #tpu.memory_space<hbm>>, %arg3: memref<1024x2048xf32, #tpu.memory_space<hbm>>, %arg4: memref<1024x248xf32, #tpu.memory_space<hbm>>, %arg5: memref<2048xf32, #tpu.memory_space<vmem>>, %arg6: memref<2048xf32, #tpu.memory_space<vmem>>, %arg7: memref<2048xf32, #tpu.memory_space<vmem>>, %arg8: memref<2048xf32, #tpu.memory_space<vmem>>, %arg9: memref<248xf32, #tpu.memory_space<vmem>>, %arg10: memref<248xf32, #tpu.memory_space<vmem>>, %arg11: memref<2048xi32, #tpu.memory_space<vmem>>, %arg12: memref<!tpu.dma_semaphore, #tpu.memory_space<semaphore_mem>>, %arg13: memref<!tpu.dma_semaphore, #tpu.memory_space<semaphore_mem>>, %arg14: memref<!tpu.dma_semaphore, #tpu.memory_space<semaphore_mem>>, %arg15: memref<!tpu.dma_semaphore, #tpu.memory_space<semaphore_mem>>, %arg16: memref<!tpu.dma_semaphore, #tpu.memory_space<semaphore_mem>>, %arg17: memref<!tpu.dma_semaphore, #tpu.memory_space<semaphore_mem>>) attributes {dimension_semantics = [#tpu.dimension_semantics<core_parallel>, #tpu.dimension_semantics<subcore_parallel>], iteration_bounds = array<i64: 2, 16>, scalar_prefetch = 0 : i64, scratch_operands = 13 : i64, tpu.core_type = #tpu.core_type<sc_vector_subcore>, window_params = [{transform_indices = #map}, {transform_indices = #map}, {transform_indices = #map}]} {
    %mul3A = arith.constant 2 : i32
    %mul3A_0 = arith.muli %arg1, %mul3A : i32
    %add3A = arith.addi %mul3A_0, %arg0 : i32
    %iota3A = tpu.iota {dimensions = array<i32: 0>} : vector<16xi32>
    %lt3A = arith.constant 8 : i32
    %lt3A_1 = vector.broadcast %lt3A : i32 to vector<16xi32>
    %lt3A_2 = arith.cmpi slt, %iota3A, %lt3A_1 : vector<16xi32>
    %ge3A = arith.constant 8 : i32
    %ge3A_3 = vector.broadcast %ge3A : i32 to vector<16xi32>
    %ge3A_4 = arith.cmpi sge, %iota3A, %ge3A_3 : vector<16xi32>
    %mul3A_5 = arith.constant 32 : i32
    %mul3A_6 = arith.muli %add3A, %mul3A_5 : i32
    %broadcast_in_dim3A = arith.constant -1.000000e+30 : f32
    %broadcast_in_dim3A_7 = vector.broadcast %broadcast_in_dim3A : f32 to vector<16xf32>
    %broadcast_in_dim3A_8 = arith.constant 1.000000e+30 : f32
    %broadcast_in_dim3A_9 = vector.broadcast %broadcast_in_dim3A_8 : f32 to vector<16xf32>
    %broadcast_in_dim3A_10 = arith.constant 0 : i32
    %broadcast_in_dim3A_11 = vector.broadcast %broadcast_in_dim3A_10 : i32 to vector<16xi32>
    %add3A_12 = arith.constant 1 : i32
    %add3A_13 = arith.addi %mul3A_6, %add3A_12 : i32
    %dma_start3A = arith.constant 0 : i32
    %dma_start3A_14 = tpu.memref_slice %arg2[%mul3A_6, %dma_start3A] : memref<1024x2048xf32, #tpu.memory_space<hbm>> -> memref<1x2048xf32, #tpu.memory_space<hbm>>
    %dma_start3A_15 = tpu.memref_squeeze %dma_start3A_14 : memref<1x2048xf32, #tpu.memory_space<hbm>> -> memref<2048xf32, #tpu.memory_space<hbm>>
    %dma_start3A_16 = arith.constant 0 : i32
    %dma_start3A_17 = tpu.memref_slice %arg2[%mul3A_6, %dma_start3A_16] : memref<1024x2048xf32, #tpu.memory_space<hbm>> -> memref<1x2048xf32, #tpu.memory_space<hbm>>
    %dma_start3A_18 = tpu.memref_squeeze %dma_start3A_17 : memref<1x2048xf32, #tpu.memory_space<hbm>> -> memref<2048xf32, #tpu.memory_space<hbm>>
    tpu.enqueue_dma source(%dma_start3A_18 : memref<2048xf32, #tpu.memory_space<hbm>>) target(%arg5 : memref<2048xf32, #tpu.memory_space<vmem>>) target_semaphore(%arg12 : memref<!tpu.dma_semaphore, #tpu.memory_space<semaphore_mem>>)
    %dma_start3A_19 = arith.constant 0 : i32
    %dma_start3A_20 = tpu.memref_slice %arg3[%mul3A_6, %dma_start3A_19] : memref<1024x2048xf32, #tpu.memory_space<hbm>> -> memref<1x2048xf32, #tpu.memory_space<hbm>>
    %dma_start3A_21 = tpu.memref_squeeze %dma_start3A_20 : memref<1x2048xf32, #tpu.memory_space<hbm>> -> memref<2048xf32, #tpu.memory_space<hbm>>
    %dma_start3A_22 = arith.constant 0 : i32
    %dma_start3A_23 = tpu.memref_slice %arg3[%mul3A_6, %dma_start3A_22] : memref<1024x2048xf32, #tpu.memory_space<hbm>> -> memref<1x2048xf32, #tpu.memory_space<hbm>>
    %dma_start3A_24 = tpu.memref_squeeze %dma_start3A_23 : memref<1x2048xf32, #tpu.memory_space<hbm>> -> memref<2048xf32, #tpu.memory_space<hbm>>
    tpu.enqueue_dma source(%dma_start3A_24 : memref<2048xf32, #tpu.memory_space<hbm>>) target(%arg7 : memref<2048xf32, #tpu.memory_space<vmem>>) target_semaphore(%arg13 : memref<!tpu.dma_semaphore, #tpu.memory_space<semaphore_mem>>)
    %dma_start3A_25 = arith.constant 0 : i32
    %dma_start3A_26 = tpu.memref_slice %arg2[%add3A_13, %dma_start3A_25] : memref<1024x2048xf32, #tpu.memory_space<hbm>> -> memref<1x2048xf32, #tpu.memory_space<hbm>>
    %dma_start3A_27 = tpu.memref_squeeze %dma_start3A_26 : memref<1x2048xf32, #tpu.memory_space<hbm>> -> memref<2048xf32, #tpu.memory_space<hbm>>
    %dma_start3A_28 = arith.constant 0 : i32
    %dma_start3A_29 = tpu.memref_slice %arg2[%add3A_13, %dma_start3A_28] : memref<1024x2048xf32, #tpu.memory_space<hbm>> -> memref<1x2048xf32, #tpu.memory_space<hbm>>
    %dma_start3A_30 = tpu.memref_squeeze %dma_start3A_29 : memref<1x2048xf32, #tpu.memory_space<hbm>> -> memref<2048xf32, #tpu.memory_space<hbm>>
    tpu.enqueue_dma source(%dma_start3A_30 : memref<2048xf32, #tpu.memory_space<hbm>>) target(%arg6 : memref<2048xf32, #tpu.memory_space<vmem>>) target_semaphore(%arg14 : memref<!tpu.dma_semaphore, #tpu.memory_space<semaphore_mem>>)
    %dma_start3A_31 = arith.constant 0 : i32
    %dma_start3A_32 = tpu.memref_slice %arg3[%add3A_13, %dma_start3A_31] : memref<1024x2048xf32, #tpu.memory_space<hbm>> -> memref<1x2048xf32, #tpu.memory_space<hbm>>
    %dma_start3A_33 = tpu.memref_squeeze %dma_start3A_32 : memref<1x2048xf32, #tpu.memory_space<hbm>> -> memref<2048xf32, #tpu.memory_space<hbm>>
    %dma_start3A_34 = arith.constant 0 : i32
    %dma_start3A_35 = tpu.memref_slice %arg3[%add3A_13, %dma_start3A_34] : memref<1024x2048xf32, #tpu.memory_space<hbm>> -> memref<1x2048xf32, #tpu.memory_space<hbm>>
    %dma_start3A_36 = tpu.memref_squeeze %dma_start3A_35 : memref<1x2048xf32, #tpu.memory_space<hbm>> -> memref<2048xf32, #tpu.memory_space<hbm>>
    tpu.enqueue_dma source(%dma_start3A_36 : memref<2048xf32, #tpu.memory_space<hbm>>) target(%arg8 : memref<2048xf32, #tpu.memory_space<vmem>>) target_semaphore(%arg15 : memref<!tpu.dma_semaphore, #tpu.memory_space<semaphore_mem>>)
    %scan3A = arith.constant 0 : i32
    %scan3A_37 = arith.constant 0 : i32
    %scan3A_38 = arith.constant 16 : i32
    %scan3A_39 = arith.addi %scan3A_37, %scan3A_38 : i32
    %scan3A_40 = arith.constant 1 : i32
    scf.for %scan3A_60 = %scan3A_37 to %scan3A_39 step %scan3A_40  : i32 {
      %mul3A_61 = arith.constant 2 : i32
      %mul3A_62 = arith.muli %mul3A_61, %scan3A_60 : i32
      %add3A_63 = arith.addi %mul3A_6, %mul3A_62 : i32
      %dma_wait3A_64 = arith.constant 0 : i32
      %dma_wait3A_65 = tpu.memref_slice %arg2[%add3A_63, %dma_wait3A_64] : memref<1024x2048xf32, #tpu.memory_space<hbm>> -> memref<1x2048xf32, #tpu.memory_space<hbm>>
      %dma_wait3A_66 = tpu.memref_squeeze %dma_wait3A_65 : memref<1x2048xf32, #tpu.memory_space<hbm>> -> memref<2048xf32, #tpu.memory_space<hbm>>
      %dma_wait3A_67 = arith.constant 0 : i32
      %dma_wait3A_68 = tpu.memref_slice %arg2[%add3A_63, %dma_wait3A_67] : memref<1024x2048xf32, #tpu.memory_space<hbm>> -> memref<1x2048xf32, #tpu.memory_space<hbm>>
      %dma_wait3A_69 = tpu.memref_squeeze %dma_wait3A_68 : memref<1x2048xf32, #tpu.memory_space<hbm>> -> memref<2048xf32, #tpu.memory_space<hbm>>
      tpu.wait_dma2 semaphore(%arg12 : memref<!tpu.dma_semaphore, #tpu.memory_space<semaphore_mem>>) src(%dma_wait3A_69 : memref<2048xf32, #tpu.memory_space<hbm>>) dst(%arg5 : memref<2048xf32, #tpu.memory_space<vmem>>)
      %dma_wait3A_70 = arith.constant 0 : i32
      %dma_wait3A_71 = tpu.memref_slice %arg3[%add3A_63, %dma_wait3A_70] : memref<1024x2048xf32, #tpu.memory_space<hbm>> -> memref<1x2048xf32, #tpu.memory_space<hbm>>
      %dma_wait3A_72 = tpu.memref_squeeze %dma_wait3A_71 : memref<1x2048xf32, #tpu.memory_space<hbm>> -> memref<2048xf32, #tpu.memory_space<hbm>>
      %dma_wait3A_73 = arith.constant 0 : i32
      %dma_wait3A_74 = tpu.memref_slice %arg3[%add3A_63, %dma_wait3A_73] : memref<1024x2048xf32, #tpu.memory_space<hbm>> -> memref<1x2048xf32, #tpu.memory_space<hbm>>
      %dma_wait3A_75 = tpu.memref_squeeze %dma_wait3A_74 : memref<1x2048xf32, #tpu.memory_space<hbm>> -> memref<2048xf32, #tpu.memory_space<hbm>>
      tpu.wait_dma2 semaphore(%arg13 : memref<!tpu.dma_semaphore, #tpu.memory_space<semaphore_mem>>) src(%dma_wait3A_75 : memref<2048xf32, #tpu.memory_space<hbm>>) dst(%arg7 : memref<2048xf32, #tpu.memory_space<vmem>>)
      %parallel_loop3A = arith.constant 0 : i32
      %parallel_loop3A_76 = arith.constant 16 : i32
      %parallel_loop3A_77 = arith.constant 1 : i32
      %parallel_loop3A_78:8 = scf.for %parallel_loop3A_407 = %parallel_loop3A to %parallel_loop3A_76 step %parallel_loop3A_77 iter_args(%parallel_loop3A_408 = %broadcast_in_dim3A_7, %parallel_loop3A_409 = %broadcast_in_dim3A_11, %parallel_loop3A_410 = %broadcast_in_dim3A_9, %parallel_loop3A_411 = %broadcast_in_dim3A_11, %parallel_loop3A_412 = %broadcast_in_dim3A_7, %parallel_loop3A_413 = %broadcast_in_dim3A_11, %parallel_loop3A_414 = %broadcast_in_dim3A_9, %parallel_loop3A_415 = %broadcast_in_dim3A_11) -> (vector<16xf32>, vector<16xi32>, vector<16xf32>, vector<16xi32>, vector<16xf32>, vector<16xi32>, vector<16xf32>, vector<16xi32>)  : i32 {
        %parallel_loop3A_416 = arith.constant 16 : i32
        %parallel_loop3A_417 = arith.muli %parallel_loop3A_407, %parallel_loop3A_416 : i32
        %parallel_loop3A_418 = vector.broadcast %parallel_loop3A_417 : i32 to vector<16xi32>
        %parallel_loop3A_419 = arith.addi %parallel_loop3A_418, %iota3A : vector<16xi32>
        %parallel_loop3A_420 = arith.constant 0 : i32
        %parallel_loop3A_421 = arith.addi %parallel_loop3A_420, %parallel_loop3A_417 : i32
        %parallel_loop3A_422 = arith.index_cast %parallel_loop3A_421 : i32 to index
        %parallel_loop3A_423 = tpu.vector_load %arg5[%parallel_loop3A_422] {strides = array<i32>} : memref<2048xf32, #tpu.memory_space<vmem>>, vector<16xf32>,
        %parallel_loop3A_424 = arith.constant 256 : i32
        %parallel_loop3A_425 = arith.addi %parallel_loop3A_421, %parallel_loop3A_424 : i32
        %parallel_loop3A_426 = arith.index_cast %parallel_loop3A_425 : i32 to index
        %parallel_loop3A_427 = tpu.vector_load %arg5[%parallel_loop3A_426] {strides = array<i32>} : memref<2048xf32, #tpu.memory_space<vmem>>, vector<16xf32>,
        %parallel_loop3A_428 = arith.constant 512 : i32
        %parallel_loop3A_429 = arith.addi %parallel_loop3A_421, %parallel_loop3A_428 : i32
        %parallel_loop3A_430 = arith.index_cast %parallel_loop3A_429 : i32 to index
        %parallel_loop3A_431 = tpu.vector_load %arg5[%parallel_loop3A_430] {strides = array<i32>} : memref<2048xf32, #tpu.memory_space<vmem>>, vector<16xf32>,
        %parallel_loop3A_432 = arith.constant 768 : i32
        %parallel_loop3A_433 = arith.addi %parallel_loop3A_421, %parallel_loop3A_432 : i32
        %parallel_loop3A_434 = arith.index_cast %parallel_loop3A_433 : i32 to index
        %parallel_loop3A_435 = tpu.vector_load %arg5[%parallel_loop3A_434] {strides = array<i32>} : memref<2048xf32, #tpu.memory_space<vmem>>, vector<16xf32>,
        %parallel_loop3A_436 = arith.maximumf %parallel_loop3A_423, %parallel_loop3A_427 : vector<16xf32>
        %parallel_loop3A_437 = arith.cmpf oge, %parallel_loop3A_423, %parallel_loop3A_427 : vector<16xf32>
        %parallel_loop3A_438 = arith.constant 0 : i32
        %parallel_loop3A_439 = arith.constant 256 : i32
        %parallel_loop3A_440 = vector.broadcast %parallel_loop3A_438 : i32 to vector<16xi32>
        %parallel_loop3A_441 = vector.broadcast %parallel_loop3A_439 : i32 to vector<16xi32>
        %parallel_loop3A_442 = arith.select %parallel_loop3A_437, %parallel_loop3A_440, %parallel_loop3A_441 : vector<16xi1>, vector<16xi32>
        %parallel_loop3A_443 = arith.maximumf %parallel_loop3A_431, %parallel_loop3A_435 : vector<16xf32>
        %parallel_loop3A_444 = arith.cmpf oge, %parallel_loop3A_431, %parallel_loop3A_435 : vector<16xf32>
        %parallel_loop3A_445 = arith.constant 512 : i32
        %parallel_loop3A_446 = arith.constant 768 : i32
        %parallel_loop3A_447 = vector.broadcast %parallel_loop3A_445 : i32 to vector<16xi32>
        %parallel_loop3A_448 = vector.broadcast %parallel_loop3A_446 : i32 to vector<16xi32>
        %parallel_loop3A_449 = arith.select %parallel_loop3A_444, %parallel_loop3A_447, %parallel_loop3A_448 : vector<16xi1>, vector<16xi32>
        %parallel_loop3A_450 = arith.maximumf %parallel_loop3A_436, %parallel_loop3A_443 : vector<16xf32>
        %parallel_loop3A_451 = arith.cmpf oge, %parallel_loop3A_436, %parallel_loop3A_443 : vector<16xf32>
        %parallel_loop3A_452 = arith.select %parallel_loop3A_451, %parallel_loop3A_442, %parallel_loop3A_449 : vector<16xi1>, vector<16xi32>
        %parallel_loop3A_453 = arith.constant 0 : i32
        %parallel_loop3A_454 = vector.broadcast %parallel_loop3A_453 : i32 to vector<16xi32>
        %parallel_loop3A_455 = arith.addi %parallel_loop3A_419, %parallel_loop3A_454 : vector<16xi32>
        %parallel_loop3A_456 = arith.addi %parallel_loop3A_455, %parallel_loop3A_452 : vector<16xi32>
        %parallel_loop3A_457 = arith.constant dense<true> : vector<16xi1>
        %parallel_loop3A_458, %parallel_loop3A_459, %parallel_loop3A_460 = tpu.sort %parallel_loop3A_450, %parallel_loop3A_456 masked %parallel_loop3A_457 : (vector<16xf32>, vector<16xi32>, vector<16xi1>) -> (vector<16xi1>, vector<16xf32>, vector<16xi32>)
        %parallel_loop3A_461 = arith.cmpf oge, %parallel_loop3A_408, %parallel_loop3A_459 : vector<16xf32>
        %parallel_loop3A_462 = arith.select %parallel_loop3A_461, %parallel_loop3A_408, %parallel_loop3A_459 : vector<16xi1>, vector<16xf32>
        %parallel_loop3A_463 = arith.select %parallel_loop3A_461, %parallel_loop3A_409, %parallel_loop3A_460 : vector<16xi1>, vector<16xi32>
        %parallel_loop3A_464 = arith.constant dense<true> : vector<16xi1>
        %parallel_loop3A_465, %parallel_loop3A_466, %parallel_loop3A_467 = tpu.sort %parallel_loop3A_462, %parallel_loop3A_463 masked %parallel_loop3A_464 {descending = true} : (vector<16xf32>, vector<16xi32>, vector<16xi1>) -> (vector<16xi1>, vector<16xf32>, vector<16xi32>)
        %parallel_loop3A_468 = arith.index_cast %parallel_loop3A_421 : i32 to index
        %parallel_loop3A_469 = tpu.vector_load %arg7[%parallel_loop3A_468] {strides = array<i32>} : memref<2048xf32, #tpu.memory_space<vmem>>, vector<16xf32>,
        %parallel_loop3A_470 = arith.constant 256 : i32
        %parallel_loop3A_471 = arith.addi %parallel_loop3A_421, %parallel_loop3A_470 : i32
        %parallel_loop3A_472 = arith.index_cast %parallel_loop3A_471 : i32 to index
        %parallel_loop3A_473 = tpu.vector_load %arg7[%parallel_loop3A_472] {strides = array<i32>} : memref<2048xf32, #tpu.memory_space<vmem>>, vector<16xf32>,
        %parallel_loop3A_474 = arith.constant 512 : i32
        %parallel_loop3A_475 = arith.addi %parallel_loop3A_421, %parallel_loop3A_474 : i32
        %parallel_loop3A_476 = arith.index_cast %parallel_loop3A_475 : i32 to index
        %parallel_loop3A_477 = tpu.vector_load %arg7[%parallel_loop3A_476] {strides = array<i32>} : memref<2048xf32, #tpu.memory_space<vmem>>, vector<16xf32>,
        %parallel_loop3A_478 = arith.constant 768 : i32
        %parallel_loop3A_479 = arith.addi %parallel_loop3A_421, %parallel_loop3A_478 : i32
        %parallel_loop3A_480 = arith.index_cast %parallel_loop3A_479 : i32 to index
        %parallel_loop3A_481 = tpu.vector_load %arg7[%parallel_loop3A_480] {strides = array<i32>} : memref<2048xf32, #tpu.memory_space<vmem>>, vector<16xf32>,
        %parallel_loop3A_482 = arith.minimumf %parallel_loop3A_469, %parallel_loop3A_473 : vector<16xf32>
        %parallel_loop3A_483 = arith.cmpf ole, %parallel_loop3A_469, %parallel_loop3A_473 : vector<16xf32>
        %parallel_loop3A_484 = arith.constant 0 : i32
        %parallel_loop3A_485 = arith.constant 256 : i32
        %parallel_loop3A_486 = vector.broadcast %parallel_loop3A_484 : i32 to vector<16xi32>
        %parallel_loop3A_487 = vector.broadcast %parallel_loop3A_485 : i32 to vector<16xi32>
        %parallel_loop3A_488 = arith.select %parallel_loop3A_483, %parallel_loop3A_486, %parallel_loop3A_487 : vector<16xi1>, vector<16xi32>
        %parallel_loop3A_489 = arith.minimumf %parallel_loop3A_477, %parallel_loop3A_481 : vector<16xf32>
        %parallel_loop3A_490 = arith.cmpf ole, %parallel_loop3A_477, %parallel_loop3A_481 : vector<16xf32>
        %parallel_loop3A_491 = arith.constant 512 : i32
        %parallel_loop3A_492 = arith.constant 768 : i32
        %parallel_loop3A_493 = vector.broadcast %parallel_loop3A_491 : i32 to vector<16xi32>
        %parallel_loop3A_494 = vector.broadcast %parallel_loop3A_492 : i32 to vector<16xi32>
        %parallel_loop3A_495 = arith.select %parallel_loop3A_490, %parallel_loop3A_493, %parallel_loop3A_494 : vector<16xi1>, vector<16xi32>
        %parallel_loop3A_496 = arith.minimumf %parallel_loop3A_482, %parallel_loop3A_489 : vector<16xf32>
        %parallel_loop3A_497 = arith.cmpf ole, %parallel_loop3A_482, %parallel_loop3A_489 : vector<16xf32>
        %parallel_loop3A_498 = arith.select %parallel_loop3A_497, %parallel_loop3A_488, %parallel_loop3A_495 : vector<16xi1>, vector<16xi32>
        %parallel_loop3A_499 = arith.constant 0 : i32
        %parallel_loop3A_500 = vector.broadcast %parallel_loop3A_499 : i32 to vector<16xi32>
        %parallel_loop3A_501 = arith.addi %parallel_loop3A_419, %parallel_loop3A_500 : vector<16xi32>
        %parallel_loop3A_502 = arith.addi %parallel_loop3A_501, %parallel_loop3A_498 : vector<16xi32>
        %parallel_loop3A_503 = arith.constant dense<true> : vector<16xi1>
        %parallel_loop3A_504, %parallel_loop3A_505, %parallel_loop3A_506 = tpu.sort %parallel_loop3A_496, %parallel_loop3A_502 masked %parallel_loop3A_503 {descending = true} : (vector<16xf32>, vector<16xi32>, vector<16xi1>) -> (vector<16xi1>, vector<16xf32>, vector<16xi32>)
        %parallel_loop3A_507 = arith.cmpf ole, %parallel_loop3A_410, %parallel_loop3A_505 : vector<16xf32>
        %parallel_loop3A_508 = arith.select %parallel_loop3A_507, %parallel_loop3A_410, %parallel_loop3A_505 : vector<16xi1>, vector<16xf32>
        %parallel_loop3A_509 = arith.select %parallel_loop3A_507, %parallel_loop3A_411, %parallel_loop3A_506 : vector<16xi1>, vector<16xi32>
        %parallel_loop3A_510 = arith.constant dense<true> : vector<16xi1>
        %parallel_loop3A_511, %parallel_loop3A_512, %parallel_loop3A_513 = tpu.sort %parallel_loop3A_508, %parallel_loop3A_509 masked %parallel_loop3A_510 : (vector<16xf32>, vector<16xi32>, vector<16xi1>) -> (vector<16xi1>, vector<16xf32>, vector<16xi32>)
        %parallel_loop3A_514 = arith.constant 1024 : i32
        %parallel_loop3A_515 = arith.addi %parallel_loop3A_514, %parallel_loop3A_417 : i32
        %parallel_loop3A_516 = arith.index_cast %parallel_loop3A_515 : i32 to index
        %parallel_loop3A_517 = tpu.vector_load %arg5[%parallel_loop3A_516] {strides = array<i32>} : memref<2048xf32, #tpu.memory_space<vmem>>, vector<16xf32>,
        %parallel_loop3A_518 = arith.constant 256 : i32
        %parallel_loop3A_519 = arith.addi %parallel_loop3A_515, %parallel_loop3A_518 : i32
        %parallel_loop3A_520 = arith.index_cast %parallel_loop3A_519 : i32 to index
        %parallel_loop3A_521 = tpu.vector_load %arg5[%parallel_loop3A_520] {strides = array<i32>} : memref<2048xf32, #tpu.memory_space<vmem>>, vector<16xf32>,
        %parallel_loop3A_522 = arith.constant 512 : i32
        %parallel_loop3A_523 = arith.addi %parallel_loop3A_515, %parallel_loop3A_522 : i32
        %parallel_loop3A_524 = arith.index_cast %parallel_loop3A_523 : i32 to index
        %parallel_loop3A_525 = tpu.vector_load %arg5[%parallel_loop3A_524] {strides = array<i32>} : memref<2048xf32, #tpu.memory_space<vmem>>, vector<16xf32>,
        %parallel_loop3A_526 = arith.constant 768 : i32
        %parallel_loop3A_527 = arith.addi %parallel_loop3A_515, %parallel_loop3A_526 : i32
        %parallel_loop3A_528 = arith.index_cast %parallel_loop3A_527 : i32 to index
        %parallel_loop3A_529 = tpu.vector_load %arg5[%parallel_loop3A_528] {strides = array<i32>} : memref<2048xf32, #tpu.memory_space<vmem>>, vector<16xf32>,
        %parallel_loop3A_530 = arith.maximumf %parallel_loop3A_517, %parallel_loop3A_521 : vector<16xf32>
        %parallel_loop3A_531 = arith.cmpf oge, %parallel_loop3A_517, %parallel_loop3A_521 : vector<16xf32>
        %parallel_loop3A_532 = arith.constant 0 : i32
        %parallel_loop3A_533 = arith.constant 256 : i32
        %parallel_loop3A_534 = vector.broadcast %parallel_loop3A_532 : i32 to vector<16xi32>
        %parallel_loop3A_535 = vector.broadcast %parallel_loop3A_533 : i32 to vector<16xi32>
        %parallel_loop3A_536 = arith.select %parallel_loop3A_531, %parallel_loop3A_534, %parallel_loop3A_535 : vector<16xi1>, vector<16xi32>
        %parallel_loop3A_537 = arith.maximumf %parallel_loop3A_525, %parallel_loop3A_529 : vector<16xf32>
        %parallel_loop3A_538 = arith.cmpf oge, %parallel_loop3A_525, %parallel_loop3A_529 : vector<16xf32>
        %parallel_loop3A_539 = arith.constant 512 : i32
        %parallel_loop3A_540 = arith.constant 768 : i32
        %parallel_loop3A_541 = vector.broadcast %parallel_loop3A_539 : i32 to vector<16xi32>
        %parallel_loop3A_542 = vector.broadcast %parallel_loop3A_540 : i32 to vector<16xi32>
        %parallel_loop3A_543 = arith.select %parallel_loop3A_538, %parallel_loop3A_541, %parallel_loop3A_542 : vector<16xi1>, vector<16xi32>
        %parallel_loop3A_544 = arith.maximumf %parallel_loop3A_530, %parallel_loop3A_537 : vector<16xf32>
        %parallel_loop3A_545 = arith.cmpf oge, %parallel_loop3A_530, %parallel_loop3A_537 : vector<16xf32>
        %parallel_loop3A_546 = arith.select %parallel_loop3A_545, %parallel_loop3A_536, %parallel_loop3A_543 : vector<16xi1>, vector<16xi32>
        %parallel_loop3A_547 = arith.constant 1024 : i32
        %parallel_loop3A_548 = vector.broadcast %parallel_loop3A_547 : i32 to vector<16xi32>
        %parallel_loop3A_549 = arith.addi %parallel_loop3A_419, %parallel_loop3A_548 : vector<16xi32>
        %parallel_loop3A_550 = arith.addi %parallel_loop3A_549, %parallel_loop3A_546 : vector<16xi32>
        %parallel_loop3A_551 = arith.constant dense<true> : vector<16xi1>
        %parallel_loop3A_552, %parallel_loop3A_553, %parallel_loop3A_554 = tpu.sort %parallel_loop3A_544, %parallel_loop3A_550 masked %parallel_loop3A_551 : (vector<16xf32>, vector<16xi32>, vector<16xi1>) -> (vector<16xi1>, vector<16xf32>, vector<16xi32>)
        %parallel_loop3A_555 = arith.cmpf oge, %parallel_loop3A_412, %parallel_loop3A_553 : vector<16xf32>
        %parallel_loop3A_556 = arith.select %parallel_loop3A_555, %parallel_loop3A_412, %parallel_loop3A_553 : vector<16xi1>, vector<16xf32>
        %parallel_loop3A_557 = arith.select %parallel_loop3A_555, %parallel_loop3A_413, %parallel_loop3A_554 : vector<16xi1>, vector<16xi32>
        %parallel_loop3A_558 = arith.constant dense<true> : vector<16xi1>
        %parallel_loop3A_559, %parallel_loop3A_560, %parallel_loop3A_561 = tpu.sort %parallel_loop3A_556, %parallel_loop3A_557 masked %parallel_loop3A_558 {descending = true} : (vector<16xf32>, vector<16xi32>, vector<16xi1>) -> (vector<16xi1>, vector<16xf32>, vector<16xi32>)
        %parallel_loop3A_562 = arith.index_cast %parallel_loop3A_515 : i32 to index
        %parallel_loop3A_563 = tpu.vector_load %arg7[%parallel_loop3A_562] {strides = array<i32>} : memref<2048xf32, #tpu.memory_space<vmem>>, vector<16xf32>,
        %parallel_loop3A_564 = arith.constant 256 : i32
        %parallel_loop3A_565 = arith.addi %parallel_loop3A_515, %parallel_loop3A_564 : i32
        %parallel_loop3A_566 = arith.index_cast %parallel_loop3A_565 : i32 to index
        %parallel_loop3A_567 = tpu.vector_load %arg7[%parallel_loop3A_566] {strides = array<i32>} : memref<2048xf32, #tpu.memory_space<vmem>>, vector<16xf32>,
        %parallel_loop3A_568 = arith.constant 512 : i32
        %parallel_loop3A_569 = arith.addi %parallel_loop3A_515, %parallel_loop3A_568 : i32
        %parallel_loop3A_570 = arith.index_cast %parallel_loop3A_569 : i32 to index
        %parallel_loop3A_571 = tpu.vector_load %arg7[%parallel_loop3A_570] {strides = array<i32>} : memref<2048xf32, #tpu.memory_space<vmem>>, vector<16xf32>,
        %parallel_loop3A_572 = arith.constant 768 : i32
        %parallel_loop3A_573 = arith.addi %parallel_loop3A_515, %parallel_loop3A_572 : i32
        %parallel_loop3A_574 = arith.index_cast %parallel_loop3A_573 : i32 to index
        %parallel_loop3A_575 = tpu.vector_load %arg7[%parallel_loop3A_574] {strides = array<i32>} : memref<2048xf32, #tpu.memory_space<vmem>>, vector<16xf32>,
        %parallel_loop3A_576 = arith.minimumf %parallel_loop3A_563, %parallel_loop3A_567 : vector<16xf32>
        %parallel_loop3A_577 = arith.cmpf ole, %parallel_loop3A_563, %parallel_loop3A_567 : vector<16xf32>
        %parallel_loop3A_578 = arith.constant 0 : i32
        %parallel_loop3A_579 = arith.constant 256 : i32
        %parallel_loop3A_580 = vector.broadcast %parallel_loop3A_578 : i32 to vector<16xi32>
        %parallel_loop3A_581 = vector.broadcast %parallel_loop3A_579 : i32 to vector<16xi32>
        %parallel_loop3A_582 = arith.select %parallel_loop3A_577, %parallel_loop3A_580, %parallel_loop3A_581 : vector<16xi1>, vector<16xi32>
        %parallel_loop3A_583 = arith.minimumf %parallel_loop3A_571, %parallel_loop3A_575 : vector<16xf32>
        %parallel_loop3A_584 = arith.cmpf ole, %parallel_loop3A_571, %parallel_loop3A_575 : vector<16xf32>
        %parallel_loop3A_585 = arith.constant 512 : i32
        %parallel_loop3A_586 = arith.constant 768 : i32
        %parallel_loop3A_587 = vector.broadcast %parallel_loop3A_585 : i32 to vector<16xi32>
        %parallel_loop3A_588 = vector.broadcast %parallel_loop3A_586 : i32 to vector<16xi32>
        %parallel_loop3A_589 = arith.select %parallel_loop3A_584, %parallel_loop3A_587, %parallel_loop3A_588 : vector<16xi1>, vector<16xi32>
        %parallel_loop3A_590 = arith.minimumf %parallel_loop3A_576, %parallel_loop3A_583 : vector<16xf32>
        %parallel_loop3A_591 = arith.cmpf ole, %parallel_loop3A_576, %parallel_loop3A_583 : vector<16xf32>
        %parallel_loop3A_592 = arith.select %parallel_loop3A_591, %parallel_loop3A_582, %parallel_loop3A_589 : vector<16xi1>, vector<16xi32>
        %parallel_loop3A_593 = arith.constant 1024 : i32
        %parallel_loop3A_594 = vector.broadcast %parallel_loop3A_593 : i32 to vector<16xi32>
        %parallel_loop3A_595 = arith.addi %parallel_loop3A_419, %parallel_loop3A_594 : vector<16xi32>
        %parallel_loop3A_596 = arith.addi %parallel_loop3A_595, %parallel_loop3A_592 : vector<16xi32>
        %parallel_loop3A_597 = arith.constant dense<true> : vector<16xi1>
        %parallel_loop3A_598, %parallel_loop3A_599, %parallel_loop3A_600 = tpu.sort %parallel_loop3A_590, %parallel_loop3A_596 masked %parallel_loop3A_597 {descending = true} : (vector<16xf32>, vector<16xi32>, vector<16xi1>) -> (vector<16xi1>, vector<16xf32>, vector<16xi32>)
        %parallel_loop3A_601 = arith.cmpf ole, %parallel_loop3A_414, %parallel_loop3A_599 : vector<16xf32>
        %parallel_loop3A_602 = arith.select %parallel_loop3A_601, %parallel_loop3A_414, %parallel_loop3A_599 : vector<16xi1>, vector<16xf32>
        %parallel_loop3A_603 = arith.select %parallel_loop3A_601, %parallel_loop3A_415, %parallel_loop3A_600 : vector<16xi1>, vector<16xi32>
        %parallel_loop3A_604 = arith.constant dense<true> : vector<16xi1>
        %parallel_loop3A_605, %parallel_loop3A_606, %parallel_loop3A_607 = tpu.sort %parallel_loop3A_602, %parallel_loop3A_603 masked %parallel_loop3A_604 : (vector<16xf32>, vector<16xi32>, vector<16xi1>) -> (vector<16xi1>, vector<16xf32>, vector<16xi32>)
        scf.yield %parallel_loop3A_466, %parallel_loop3A_467, %parallel_loop3A_512, %parallel_loop3A_513, %parallel_loop3A_560, %parallel_loop3A_561, %parallel_loop3A_606, %parallel_loop3A_607 : vector<16xf32>, vector<16xi32>, vector<16xf32>, vector<16xi32>, vector<16xf32>, vector<16xi32>, vector<16xf32>, vector<16xi32>
      } {sc.loop_unroll_factor = 4 : i64, sc.parallel_access}
      %rev3A = arith.constant 15 : i32
      %rev3A_79 = vector.broadcast %rev3A : i32 to vector<16xi32>
      %rev3A_80 = tpu.iota {dimensions = array<i32: 0>} : vector<16xi32>
      %rev3A_81 = arith.subi %rev3A_79, %rev3A_80 : vector<16xi32>
      %rev3A_82 = tpu.dynamic_gather %parallel_loop3A_78#4[%rev3A_81] in [0] : vector<16xf32>, vector<16xi32> -> vector<16xf32>
      %rev3A_83 = arith.constant 15 : i32
      %rev3A_84 = vector.broadcast %rev3A_83 : i32 to vector<16xi32>
      %rev3A_85 = tpu.iota {dimensions = array<i32: 0>} : vector<16xi32>
      %rev3A_86 = arith.subi %rev3A_84, %rev3A_85 : vector<16xi32>
      %rev3A_87 = tpu.dynamic_gather %parallel_loop3A_78#5[%rev3A_86] in [0] : vector<16xi32>, vector<16xi32> -> vector<16xi32>
      %masked_sort3A = arith.constant dense<true> : vector<16xi1>
      %masked_sort3A_88, %masked_sort3A_89, %masked_sort3A_90 = tpu.sort %rev3A_82, %rev3A_87 masked %masked_sort3A : (vector<16xf32>, vector<16xi32>, vector<16xi1>) -> (vector<16xi1>, vector<16xf32>, vector<16xi32>)
      %ge3A_91 = arith.cmpf oge, %parallel_loop3A_78#0, %masked_sort3A_89 : vector<16xf32>
      %select_n3A = arith.select %ge3A_91, %parallel_loop3A_78#0, %masked_sort3A_89 : vector<16xi1>, vector<16xf32>
      %select_n3A_92 = arith.select %ge3A_91, %parallel_loop3A_78#1, %masked_sort3A_90 : vector<16xi1>, vector<16xi32>
      %masked_sort3A_93 = arith.constant dense<true> : vector<16xi1>
      %masked_sort3A_94, %masked_sort3A_95, %masked_sort3A_96 = tpu.sort %select_n3A, %select_n3A_92 masked %masked_sort3A_93 {descending = true} : (vector<16xf32>, vector<16xi32>, vector<16xi1>) -> (vector<16xi1>, vector<16xf32>, vector<16xi32>)
      %rev3A_97 = arith.constant 15 : i32
      %rev3A_98 = vector.broadcast %rev3A_97 : i32 to vector<16xi32>
      %rev3A_99 = tpu.iota {dimensions = array<i32: 0>} : vector<16xi32>
      %rev3A_100 = arith.subi %rev3A_98, %rev3A_99 : vector<16xi32>
      %rev3A_101 = tpu.dynamic_gather %parallel_loop3A_78#6[%rev3A_100] in [0] : vector<16xf32>, vector<16xi32> -> vector<16xf32>
      %rev3A_102 = arith.constant 15 : i32
      %rev3A_103 = vector.broadcast %rev3A_102 : i32 to vector<16xi32>
      %rev3A_104 = tpu.iota {dimensions = array<i32: 0>} : vector<16xi32>
      %rev3A_105 = arith.subi %rev3A_103, %rev3A_104 : vector<16xi32>
      %rev3A_106 = tpu.dynamic_gather %parallel_loop3A_78#7[%rev3A_105] in [0] : vector<16xi32>, vector<16xi32> -> vector<16xi32>
      %masked_sort3A_107 = arith.constant dense<true> : vector<16xi1>
      %masked_sort3A_108, %masked_sort3A_109, %masked_sort3A_110 = tpu.sort %rev3A_101, %rev3A_106 masked %masked_sort3A_107 {descending = true} : (vector<16xf32>, vector<16xi32>, vector<16xi1>) -> (vector<16xi1>, vector<16xf32>, vector<16xi32>)
      %le3A = arith.cmpf ole, %parallel_loop3A_78#2, %masked_sort3A_109 : vector<16xf32>
      %select_n3A_111 = arith.select %le3A, %parallel_loop3A_78#2, %masked_sort3A_109 : vector<16xi1>, vector<16xf32>
      %select_n3A_112 = arith.select %le3A, %parallel_loop3A_78#3, %masked_sort3A_110 : vector<16xi1>, vector<16xi32>
      %masked_sort3A_113 = arith.constant dense<true> : vector<16xi1>
      %masked_sort3A_114, %masked_sort3A_115, %masked_sort3A_116 = tpu.sort %select_n3A_111, %select_n3A_112 masked %masked_sort3A_113 : (vector<16xf32>, vector<16xi32>, vector<16xi1>) -> (vector<16xi1>, vector<16xf32>, vector<16xi32>)
      %and3A = arith.constant -769 : i32
      %and3A_117 = vector.broadcast %and3A : i32 to vector<16xi32>
      %and3A_118 = arith.andi %masked_sort3A_96, %and3A_117 : vector<16xi32>
      %rev3A_119 = arith.constant 15 : i32
      %rev3A_120 = vector.broadcast %rev3A_119 : i32 to vector<16xi32>
      %rev3A_121 = tpu.iota {dimensions = array<i32: 0>} : vector<16xi32>
      %rev3A_122 = arith.subi %rev3A_120, %rev3A_121 : vector<16xi32>
      %rev3A_123 = tpu.dynamic_gather %and3A_118[%rev3A_122] in [0] : vector<16xi32>, vector<16xi32> -> vector<16xi32>
      %add3A_124 = arith.constant 256 : i32
      %add3A_125 = vector.broadcast %add3A_124 : i32 to vector<16xi32>
      %add3A_126 = arith.addi %rev3A_123, %add3A_125 : vector<16xi32>
      %select_n3A_127 = arith.select %lt3A_2, %and3A_118, %add3A_126 : vector<16xi1>, vector<16xi32>
      %add3A_128 = arith.constant 512 : i32
      %add3A_129 = vector.broadcast %add3A_128 : i32 to vector<16xi32>
      %add3A_130 = arith.addi %and3A_118, %add3A_129 : vector<16xi32>
      %add3A_131 = arith.constant 768 : i32
      %add3A_132 = vector.broadcast %add3A_131 : i32 to vector<16xi32>
      %add3A_133 = arith.addi %rev3A_123, %add3A_132 : vector<16xi32>
      %select_n3A_134 = arith.select %lt3A_2, %add3A_130, %add3A_133 : vector<16xi1>, vector<16xi32>
      %gather3A = tpu.vector_load_idx %arg5[%select_n3A_127] : memref<2048xf32, #tpu.memory_space<vmem>>[vector<16xi32>], vector<16xf32>,
      %gather3A_135 = tpu.vector_load_idx %arg5[%select_n3A_134] : memref<2048xf32, #tpu.memory_space<vmem>>[vector<16xi32>], vector<16xf32>,
      %masked_sort3A_136 = arith.constant dense<true> : vector<16xi1>
      %masked_sort3A_137, %masked_sort3A_138, %masked_sort3A_139 = tpu.sort %gather3A, %select_n3A_127 masked %masked_sort3A_136 {descending = true} : (vector<16xf32>, vector<16xi32>, vector<16xi1>) -> (vector<16xi1>, vector<16xf32>, vector<16xi32>)
      %masked_sort3A_140 = arith.constant dense<true> : vector<16xi1>
      %masked_sort3A_141, %masked_sort3A_142, %masked_sort3A_143 = tpu.sort %gather3A_135, %select_n3A_134 masked %masked_sort3A_140 : (vector<16xf32>, vector<16xi32>, vector<16xi1>) -> (vector<16xi1>, vector<16xf32>, vector<16xi32>)
      %ge3A_144 = arith.cmpf oge, %masked_sort3A_138, %masked_sort3A_142 : vector<16xf32>
      %select_n3A_145 = arith.select %ge3A_144, %masked_sort3A_138, %masked_sort3A_142 : vector<16xi1>, vector<16xf32>
      %select_n3A_146 = arith.select %ge3A_144, %masked_sort3A_139, %masked_sort3A_143 : vector<16xi1>, vector<16xi32>
      %masked_sort3A_147 = arith.constant dense<true> : vector<16xi1>
      %masked_sort3A_148, %masked_sort3A_149, %masked_sort3A_150 = tpu.sort %select_n3A_145, %select_n3A_146 masked %masked_sort3A_147 {descending = true} : (vector<16xf32>, vector<16xi32>, vector<16xi1>) -> (vector<16xi1>, vector<16xf32>, vector<16xi32>)
      %and3A_151 = arith.constant -769 : i32
      %and3A_152 = vector.broadcast %and3A_151 : i32 to vector<16xi32>
      %and3A_153 = arith.andi %masked_sort3A_116, %and3A_152 : vector<16xi32>
      %rev3A_154 = arith.constant 15 : i32
      %rev3A_155 = vector.broadcast %rev3A_154 : i32 to vector<16xi32>
      %rev3A_156 = tpu.iota {dimensions = array<i32: 0>} : vector<16xi32>
      %rev3A_157 = arith.subi %rev3A_155, %rev3A_156 : vector<16xi32>
      %rev3A_158 = tpu.dynamic_gather %and3A_153[%rev3A_157] in [0] : vector<16xi32>, vector<16xi32> -> vector<16xi32>
      %add3A_159 = arith.constant 256 : i32
      %add3A_160 = vector.broadcast %add3A_159 : i32 to vector<16xi32>
      %add3A_161 = arith.addi %rev3A_158, %add3A_160 : vector<16xi32>
      %select_n3A_162 = arith.select %lt3A_2, %and3A_153, %add3A_161 : vector<16xi1>, vector<16xi32>
      %add3A_163 = arith.constant 512 : i32
      %add3A_164 = vector.broadcast %add3A_163 : i32 to vector<16xi32>
      %add3A_165 = arith.addi %and3A_153, %add3A_164 : vector<16xi32>
      %add3A_166 = arith.constant 768 : i32
      %add3A_167 = vector.broadcast %add3A_166 : i32 to vector<16xi32>
      %add3A_168 = arith.addi %rev3A_158, %add3A_167 : vector<16xi32>
      %select_n3A_169 = arith.select %lt3A_2, %add3A_165, %add3A_168 : vector<16xi1>, vector<16xi32>
      %gather3A_170 = tpu.vector_load_idx %arg7[%select_n3A_162] : memref<2048xf32, #tpu.memory_space<vmem>>[vector<16xi32>], vector<16xf32>,
      %gather3A_171 = tpu.vector_load_idx %arg7[%select_n3A_169] : memref<2048xf32, #tpu.memory_space<vmem>>[vector<16xi32>], vector<16xf32>,
      %masked_sort3A_172 = arith.constant dense<true> : vector<16xi1>
      %masked_sort3A_173, %masked_sort3A_174, %masked_sort3A_175 = tpu.sort %gather3A_170, %select_n3A_162 masked %masked_sort3A_172 : (vector<16xf32>, vector<16xi32>, vector<16xi1>) -> (vector<16xi1>, vector<16xf32>, vector<16xi32>)
      %masked_sort3A_176 = arith.constant dense<true> : vector<16xi1>
      %masked_sort3A_177, %masked_sort3A_178, %masked_sort3A_179 = tpu.sort %gather3A_171, %select_n3A_169 masked %masked_sort3A_176 {descending = true} : (vector<16xf32>, vector<16xi32>, vector<16xi1>) -> (vector<16xi1>, vector<16xf32>, vector<16xi32>)
      %le3A_180 = arith.cmpf ole, %masked_sort3A_174, %masked_sort3A_178 : vector<16xf32>
      %select_n3A_181 = arith.select %le3A_180, %masked_sort3A_174, %masked_sort3A_178 : vector<16xi1>, vector<16xf32>
      %select_n3A_182 = arith.select %le3A_180, %masked_sort3A_175, %masked_sort3A_179 : vector<16xi1>, vector<16xi32>
      %masked_sort3A_183 = arith.constant dense<true> : vector<16xi1>
      %masked_sort3A_184, %masked_sort3A_185, %masked_sort3A_186 = tpu.sort %select_n3A_181, %select_n3A_182 masked %masked_sort3A_183 : (vector<16xf32>, vector<16xi32>, vector<16xi1>) -> (vector<16xi1>, vector<16xf32>, vector<16xi32>)
      %rev3A_187 = arith.constant 15 : i32
      %rev3A_188 = vector.broadcast %rev3A_187 : i32 to vector<16xi32>
      %rev3A_189 = tpu.iota {dimensions = array<i32: 0>} : vector<16xi32>
      %rev3A_190 = arith.subi %rev3A_188, %rev3A_189 : vector<16xi32>
      %rev3A_191 = tpu.dynamic_gather %masked_sort3A_186[%rev3A_190] in [0] : vector<16xi32>, vector<16xi32> -> vector<16xi32>
      %select_n3A_192 = arith.select %lt3A_2, %masked_sort3A_150, %rev3A_191 : vector<16xi1>, vector<16xi32>
      %broadcast_in_dim3A_193 = arith.constant 99 : i32
      %broadcast_in_dim3A_194 = vector.broadcast %broadcast_in_dim3A_193 : i32 to vector<16xi32>
      tpu.vector_store_idx %arg11[%select_n3A_192], %broadcast_in_dim3A_194 : memref<2048xi32, #tpu.memory_space<vmem>>[vector<16xi32>], vector<16xi32>,
      tpu.vector_store_idx %arg11[%select_n3A_192], %iota3A masked %lt3A_2 : memref<2048xi32, #tpu.memory_space<vmem>>[vector<16xi32>], vector<16xi32>, vector<16xi1>
      %gather3A_195 = tpu.vector_load_idx %arg11[%select_n3A_192] : memref<2048xi32, #tpu.memory_space<vmem>>[vector<16xi32>], vector<16xi32>,
      %lt3A_196 = arith.constant 8 : i32
      %lt3A_197 = vector.broadcast %lt3A_196 : i32 to vector<16xi32>
      %lt3A_198 = arith.cmpi slt, %gather3A_195, %lt3A_197 : vector<16xi32>
      %and3A_199 = arith.andi %ge3A_4, %lt3A_198 : vector<16xi1>
      %gather3A_200 = tpu.vector_load_idx %arg5[%select_n3A_192] : memref<2048xf32, #tpu.memory_space<vmem>>[vector<16xi32>], vector<16xf32>,
      %gather3A_201 = tpu.vector_load_idx %arg7[%select_n3A_192] : memref<2048xf32, #tpu.memory_space<vmem>>[vector<16xi32>], vector<16xf32>,
      %lt3A_202 = arith.constant 15 : i32
      %lt3A_203 = arith.cmpi slt, %scan3A_60, %lt3A_202 : i32
      %convert_element_type3A = arith.extui %lt3A_203 : i1 to i32
      %cond3A = arith.constant 0 : i32
      %cond3A_204 = arith.cmpi ne, %convert_element_type3A, %cond3A : i32
      scf.if %cond3A_204 {
        %add3A_407 = arith.constant 2 : i32
        %add3A_408 = arith.addi %add3A_63, %add3A_407 : i32
        %dma_start3A_409 = arith.constant 0 : i32
        %dma_start3A_410 = tpu.memref_slice %arg2[%add3A_408, %dma_start3A_409] : memref<1024x2048xf32, #tpu.memory_space<hbm>> -> memref<1x2048xf32, #tpu.memory_space<hbm>>
        %dma_start3A_411 = tpu.memref_squeeze %dma_start3A_410 : memref<1x2048xf32, #tpu.memory_space<hbm>> -> memref<2048xf32, #tpu.memory_space<hbm>>
        %dma_start3A_412 = arith.constant 0 : i32
        %dma_start3A_413 = tpu.memref_slice %arg2[%add3A_408, %dma_start3A_412] : memref<1024x2048xf32, #tpu.memory_space<hbm>> -> memref<1x2048xf32, #tpu.memory_space<hbm>>
        %dma_start3A_414 = tpu.memref_squeeze %dma_start3A_413 : memref<1x2048xf32, #tpu.memory_space<hbm>> -> memref<2048xf32, #tpu.memory_space<hbm>>
        tpu.enqueue_dma source(%dma_start3A_414 : memref<2048xf32, #tpu.memory_space<hbm>>) target(%arg5 : memref<2048xf32, #tpu.memory_space<vmem>>) target_semaphore(%arg12 : memref<!tpu.dma_semaphore, #tpu.memory_space<semaphore_mem>>)
        %dma_start3A_415 = arith.constant 0 : i32
        %dma_start3A_416 = tpu.memref_slice %arg3[%add3A_408, %dma_start3A_415] : memref<1024x2048xf32, #tpu.memory_space<hbm>> -> memref<1x2048xf32, #tpu.memory_space<hbm>>
        %dma_start3A_417 = tpu.memref_squeeze %dma_start3A_416 : memref<1x2048xf32, #tpu.memory_space<hbm>> -> memref<2048xf32, #tpu.memory_space<hbm>>
        %dma_start3A_418 = arith.constant 0 : i32
        %dma_start3A_419 = tpu.memref_slice %arg3[%add3A_408, %dma_start3A_418] : memref<1024x2048xf32, #tpu.memory_space<hbm>> -> memref<1x2048xf32, #tpu.memory_space<hbm>>
        %dma_start3A_420 = tpu.memref_squeeze %dma_start3A_419 : memref<1x2048xf32, #tpu.memory_space<hbm>> -> memref<2048xf32, #tpu.memory_space<hbm>>
        tpu.enqueue_dma source(%dma_start3A_420 : memref<2048xf32, #tpu.memory_space<hbm>>) target(%arg7 : memref<2048xf32, #tpu.memory_space<vmem>>) target_semaphore(%arg13 : memref<!tpu.dma_semaphore, #tpu.memory_space<semaphore_mem>>)
      } else {
      }
      %ge3A_205 = arith.constant 1 : i32
      %ge3A_206 = arith.cmpi sge, %scan3A_60, %ge3A_205 : i32
      %convert_element_type3A_207 = arith.extui %ge3A_206 : i1 to i32
      %cond3A_208 = arith.constant 0 : i32
      %cond3A_209 = arith.cmpi ne, %convert_element_type3A_207, %cond3A_208 : i32
      scf.if %cond3A_209 {
        %sub3A_407 = arith.constant 2 : i32
        %sub3A_408 = arith.subi %add3A_63, %sub3A_407 : i32
        %dma_wait3A_409 = arith.constant 0 : i32
        %dma_wait3A_410 = tpu.memref_slice %arg4[%sub3A_408, %dma_wait3A_409] : memref<1024x248xf32, #tpu.memory_space<hbm>> -> memref<1x248xf32, #tpu.memory_space<hbm>>
        %dma_wait3A_411 = tpu.memref_squeeze %dma_wait3A_410 : memref<1x248xf32, #tpu.memory_space<hbm>> -> memref<248xf32, #tpu.memory_space<hbm>>
        %dma_wait3A_412 = arith.constant 0 : i32
        %dma_wait3A_413 = tpu.memref_slice %arg4[%sub3A_408, %dma_wait3A_412] : memref<1024x248xf32, #tpu.memory_space<hbm>> -> memref<1x248xf32, #tpu.memory_space<hbm>>
        %dma_wait3A_414 = tpu.memref_squeeze %dma_wait3A_413 : memref<1x248xf32, #tpu.memory_space<hbm>> -> memref<248xf32, #tpu.memory_space<hbm>>
        tpu.wait_dma2 semaphore(%arg16 : memref<!tpu.dma_semaphore, #tpu.memory_space<semaphore_mem>>) src(%arg9 : memref<248xf32, #tpu.memory_space<vmem>>) dst(%dma_wait3A_414 : memref<248xf32, #tpu.memory_space<hbm>>)
      } else {
      }
      %min3A = arith.constant 7 : i32
      %min3A_210 = vector.broadcast %min3A : i32 to vector<16xi32>
      %min3A_211 = arith.minsi %iota3A, %min3A_210 : vector<16xi32>
      %mul3A_212 = arith.constant 31 : i32
      %mul3A_213 = vector.broadcast %mul3A_212 : i32 to vector<16xi32>
      %mul3A_214 = arith.muli %min3A_211, %mul3A_213 : vector<16xi32>
      %jit3A = arith.constant -9.000000e+00 : f32
      %broadcast_in_dim3A_215 = vector.broadcast %jit3A : f32 to vector<16xf32>
      %select_n3A_216 = arith.select %and3A_199, %broadcast_in_dim3A_215, %gather3A_200 : vector<16xi1>, vector<16xf32>
      %jit3A_217 = arith.constant 9.000000e+00 : f32
      %broadcast_in_dim3A_218 = vector.broadcast %jit3A_217 : f32 to vector<16xf32>
      %select_n3A_219 = arith.select %and3A_199, %broadcast_in_dim3A_218, %gather3A_201 : vector<16xi1>, vector<16xf32>
      %parallel_loop3A_220 = arith.constant 0 : i32
      %parallel_loop3A_221 = arith.constant 31 : i32
      %parallel_loop3A_222 = arith.constant 1 : i32
      scf.for %parallel_loop3A_407 = %parallel_loop3A_220 to %parallel_loop3A_221 step %parallel_loop3A_222  : i32 {
        %parallel_loop3A_408 = arith.sitofp %parallel_loop3A_407 : i32 to f32
        %parallel_loop3A_409 = arith.constant 0.0322580636 : f32
        %parallel_loop3A_410 = arith.mulf %parallel_loop3A_408, %parallel_loop3A_409 : f32
        %parallel_loop3A_411 = vector.broadcast %parallel_loop3A_410 : f32 to vector<16xf32>
        %parallel_loop3A_412 = arith.subf %select_n3A_216, %parallel_loop3A_411 : vector<16xf32>
        %parallel_loop3A_413 = vector.broadcast %parallel_loop3A_410 : f32 to vector<16xf32>
        %parallel_loop3A_414 = arith.subf %parallel_loop3A_413, %select_n3A_219 : vector<16xf32>
        %parallel_loop3A_415 = arith.maximumf %parallel_loop3A_412, %parallel_loop3A_414 : vector<16xf32>
        %parallel_loop3A_416 = arith.constant 0.000000e+00 : f32
        %parallel_loop3A_417 = vector.broadcast %parallel_loop3A_416 : f32 to vector<16xf32>
        %parallel_loop3A_418 = arith.maximumf %parallel_loop3A_415, %parallel_loop3A_417 : vector<16xf32>
        %parallel_loop3A_419 = arith.constant dense<true> : vector<16xi1>
        %parallel_loop3A_420, %parallel_loop3A_421, %parallel_loop3A_422 = tpu.sort %parallel_loop3A_418, %parallel_loop3A_418 masked %parallel_loop3A_419 {descending = true} : (vector<16xf32>, vector<16xf32>, vector<16xi1>) -> (vector<16xi1>, vector<16xf32>, vector<16xf32>)
        %parallel_loop3A_423 = vector.broadcast %parallel_loop3A_407 : i32 to vector<16xi32>
        %parallel_loop3A_424 = arith.addi %mul3A_214, %parallel_loop3A_423 : vector<16xi32>
        tpu.vector_store_idx %arg9[%parallel_loop3A_424], %parallel_loop3A_421 masked %lt3A_2 : memref<248xf32, #tpu.memory_space<vmem>>[vector<16xi32>], vector<16xf32>, vector<16xi1>
      } {sc.loop_unroll_factor = 4 : i64, sc.parallel_access}
      %dma_start3A_223 = arith.constant 0 : i32
      %dma_start3A_224 = tpu.memref_slice %arg4[%add3A_63, %dma_start3A_223] : memref<1024x248xf32, #tpu.memory_space<hbm>> -> memref<1x248xf32, #tpu.memory_space<hbm>>
      %dma_start3A_225 = tpu.memref_squeeze %dma_start3A_224 : memref<1x248xf32, #tpu.memory_space<hbm>> -> memref<248xf32, #tpu.memory_space<hbm>>
      %dma_start3A_226 = arith.constant 0 : i32
      %dma_start3A_227 = tpu.memref_slice %arg4[%add3A_63, %dma_start3A_226] : memref<1024x248xf32, #tpu.memory_space<hbm>> -> memref<1x248xf32, #tpu.memory_space<hbm>>
      %dma_start3A_228 = tpu.memref_squeeze %dma_start3A_227 : memref<1x248xf32, #tpu.memory_space<hbm>> -> memref<248xf32, #tpu.memory_space<hbm>>
      tpu.enqueue_dma source(%arg9 : memref<248xf32, #tpu.memory_space<vmem>>) target(%dma_start3A_228 : memref<248xf32, #tpu.memory_space<hbm>>) target_semaphore(%arg16 : memref<!tpu.dma_semaphore, #tpu.memory_space<semaphore_mem>>)
      %add3A_229 = arith.constant 1 : i32
      %add3A_230 = arith.addi %add3A_63, %add3A_229 : i32
      %dma_wait3A_231 = arith.constant 0 : i32
      %dma_wait3A_232 = tpu.memref_slice %arg2[%add3A_230, %dma_wait3A_231] : memref<1024x2048xf32, #tpu.memory_space<hbm>> -> memref<1x2048xf32, #tpu.memory_space<hbm>>
      %dma_wait3A_233 = tpu.memref_squeeze %dma_wait3A_232 : memref<1x2048xf32, #tpu.memory_space<hbm>> -> memref<2048xf32, #tpu.memory_space<hbm>>
      %dma_wait3A_234 = arith.constant 0 : i32
      %dma_wait3A_235 = tpu.memref_slice %arg2[%add3A_230, %dma_wait3A_234] : memref<1024x2048xf32, #tpu.memory_space<hbm>> -> memref<1x2048xf32, #tpu.memory_space<hbm>>
      %dma_wait3A_236 = tpu.memref_squeeze %dma_wait3A_235 : memref<1x2048xf32, #tpu.memory_space<hbm>> -> memref<2048xf32, #tpu.memory_space<hbm>>
      tpu.wait_dma2 semaphore(%arg14 : memref<!tpu.dma_semaphore, #tpu.memory_space<semaphore_mem>>) src(%dma_wait3A_236 : memref<2048xf32, #tpu.memory_space<hbm>>) dst(%arg6 : memref<2048xf32, #tpu.memory_space<vmem>>)
      %dma_wait3A_237 = arith.constant 0 : i32
      %dma_wait3A_238 = tpu.memref_slice %arg3[%add3A_230, %dma_wait3A_237] : memref<1024x2048xf32, #tpu.memory_space<hbm>> -> memref<1x2048xf32, #tpu.memory_space<hbm>>
      %dma_wait3A_239 = tpu.memref_squeeze %dma_wait3A_238 : memref<1x2048xf32, #tpu.memory_space<hbm>> -> memref<2048xf32, #tpu.memory_space<hbm>>
      %dma_wait3A_240 = arith.constant 0 : i32
      %dma_wait3A_241 = tpu.memref_slice %arg3[%add3A_230, %dma_wait3A_240] : memref<1024x2048xf32, #tpu.memory_space<hbm>> -> memref<1x2048xf32, #tpu.memory_space<hbm>>
      %dma_wait3A_242 = tpu.memref_squeeze %dma_wait3A_241 : memref<1x2048xf32, #tpu.memory_space<hbm>> -> memref<2048xf32, #tpu.memory_space<hbm>>
      tpu.wait_dma2 semaphore(%arg15 : memref<!tpu.dma_semaphore, #tpu.memory_space<semaphore_mem>>) src(%dma_wait3A_242 : memref<2048xf32, #tpu.memory_space<hbm>>) dst(%arg8 : memref<2048xf32, #tpu.memory_space<vmem>>)
      %parallel_loop3A_243 = arith.constant 0 : i32
      %parallel_loop3A_244 = arith.constant 16 : i32
      %parallel_loop3A_245 = arith.constant 1 : i32
      %parallel_loop3A_246:8 = scf.for %parallel_loop3A_407 = %parallel_loop3A_243 to %parallel_loop3A_244 step %parallel_loop3A_245 iter_args(%parallel_loop3A_408 = %broadcast_in_dim3A_7, %parallel_loop3A_409 = %broadcast_in_dim3A_11, %parallel_loop3A_410 = %broadcast_in_dim3A_9, %parallel_loop3A_411 = %broadcast_in_dim3A_11, %parallel_loop3A_412 = %broadcast_in_dim3A_7, %parallel_loop3A_413 = %broadcast_in_dim3A_11, %parallel_loop3A_414 = %broadcast_in_dim3A_9, %parallel_loop3A_415 = %broadcast_in_dim3A_11) -> (vector<16xf32>, vector<16xi32>, vector<16xf32>, vector<16xi32>, vector<16xf32>, vector<16xi32>, vector<16xf32>, vector<16xi32>)  : i32 {
        %parallel_loop3A_416 = arith.constant 16 : i32
        %parallel_loop3A_417 = arith.muli %parallel_loop3A_407, %parallel_loop3A_416 : i32
        %parallel_loop3A_418 = vector.broadcast %parallel_loop3A_417 : i32 to vector<16xi32>
        %parallel_loop3A_419 = arith.addi %parallel_loop3A_418, %iota3A : vector<16xi32>
        %parallel_loop3A_420 = arith.constant 0 : i32
        %parallel_loop3A_421 = arith.addi %parallel_loop3A_420, %parallel_loop3A_417 : i32
        %parallel_loop3A_422 = arith.index_cast %parallel_loop3A_421 : i32 to index
        %parallel_loop3A_423 = tpu.vector_load %arg6[%parallel_loop3A_422] {strides = array<i32>} : memref<2048xf32, #tpu.memory_space<vmem>>, vector<16xf32>,
        %parallel_loop3A_424 = arith.constant 256 : i32
        %parallel_loop3A_425 = arith.addi %parallel_loop3A_421, %parallel_loop3A_424 : i32
        %parallel_loop3A_426 = arith.index_cast %parallel_loop3A_425 : i32 to index
        %parallel_loop3A_427 = tpu.vector_load %arg6[%parallel_loop3A_426] {strides = array<i32>} : memref<2048xf32, #tpu.memory_space<vmem>>, vector<16xf32>,
        %parallel_loop3A_428 = arith.constant 512 : i32
        %parallel_loop3A_429 = arith.addi %parallel_loop3A_421, %parallel_loop3A_428 : i32
        %parallel_loop3A_430 = arith.index_cast %parallel_loop3A_429 : i32 to index
        %parallel_loop3A_431 = tpu.vector_load %arg6[%parallel_loop3A_430] {strides = array<i32>} : memref<2048xf32, #tpu.memory_space<vmem>>, vector<16xf32>,
        %parallel_loop3A_432 = arith.constant 768 : i32
        %parallel_loop3A_433 = arith.addi %parallel_loop3A_421, %parallel_loop3A_432 : i32
        %parallel_loop3A_434 = arith.index_cast %parallel_loop3A_433 : i32 to index
        %parallel_loop3A_435 = tpu.vector_load %arg6[%parallel_loop3A_434] {strides = array<i32>} : memref<2048xf32, #tpu.memory_space<vmem>>, vector<16xf32>,
        %parallel_loop3A_436 = arith.maximumf %parallel_loop3A_423, %parallel_loop3A_427 : vector<16xf32>
        %parallel_loop3A_437 = arith.cmpf oge, %parallel_loop3A_423, %parallel_loop3A_427 : vector<16xf32>
        %parallel_loop3A_438 = arith.constant 0 : i32
        %parallel_loop3A_439 = arith.constant 256 : i32
        %parallel_loop3A_440 = vector.broadcast %parallel_loop3A_438 : i32 to vector<16xi32>
        %parallel_loop3A_441 = vector.broadcast %parallel_loop3A_439 : i32 to vector<16xi32>
        %parallel_loop3A_442 = arith.select %parallel_loop3A_437, %parallel_loop3A_440, %parallel_loop3A_441 : vector<16xi1>, vector<16xi32>
        %parallel_loop3A_443 = arith.maximumf %parallel_loop3A_431, %parallel_loop3A_435 : vector<16xf32>
        %parallel_loop3A_444 = arith.cmpf oge, %parallel_loop3A_431, %parallel_loop3A_435 : vector<16xf32>
        %parallel_loop3A_445 = arith.constant 512 : i32
        %parallel_loop3A_446 = arith.constant 768 : i32
        %parallel_loop3A_447 = vector.broadcast %parallel_loop3A_445 : i32 to vector<16xi32>
        %parallel_loop3A_448 = vector.broadcast %parallel_loop3A_446 : i32 to vector<16xi32>
        %parallel_loop3A_449 = arith.select %parallel_loop3A_444, %parallel_loop3A_447, %parallel_loop3A_448 : vector<16xi1>, vector<16xi32>
        %parallel_loop3A_450 = arith.maximumf %parallel_loop3A_436, %parallel_loop3A_443 : vector<16xf32>
        %parallel_loop3A_451 = arith.cmpf oge, %parallel_loop3A_436, %parallel_loop3A_443 : vector<16xf32>
        %parallel_loop3A_452 = arith.select %parallel_loop3A_451, %parallel_loop3A_442, %parallel_loop3A_449 : vector<16xi1>, vector<16xi32>
        %parallel_loop3A_453 = arith.constant 0 : i32
        %parallel_loop3A_454 = vector.broadcast %parallel_loop3A_453 : i32 to vector<16xi32>
        %parallel_loop3A_455 = arith.addi %parallel_loop3A_419, %parallel_loop3A_454 : vector<16xi32>
        %parallel_loop3A_456 = arith.addi %parallel_loop3A_455, %parallel_loop3A_452 : vector<16xi32>
        %parallel_loop3A_457 = arith.constant dense<true> : vector<16xi1>
        %parallel_loop3A_458, %parallel_loop3A_459, %parallel_loop3A_460 = tpu.sort %parallel_loop3A_450, %parallel_loop3A_456 masked %parallel_loop3A_457 : (vector<16xf32>, vector<16xi32>, vector<16xi1>) -> (vector<16xi1>, vector<16xf32>, vector<16xi32>)
        %parallel_loop3A_461 = arith.cmpf oge, %parallel_loop3A_408, %parallel_loop3A_459 : vector<16xf32>
        %parallel_loop3A_462 = arith.select %parallel_loop3A_461, %parallel_loop3A_408, %parallel_loop3A_459 : vector<16xi1>, vector<16xf32>
        %parallel_loop3A_463 = arith.select %parallel_loop3A_461, %parallel_loop3A_409, %parallel_loop3A_460 : vector<16xi1>, vector<16xi32>
        %parallel_loop3A_464 = arith.constant dense<true> : vector<16xi1>
        %parallel_loop3A_465, %parallel_loop3A_466, %parallel_loop3A_467 = tpu.sort %parallel_loop3A_462, %parallel_loop3A_463 masked %parallel_loop3A_464 {descending = true} : (vector<16xf32>, vector<16xi32>, vector<16xi1>) -> (vector<16xi1>, vector<16xf32>, vector<16xi32>)
        %parallel_loop3A_468 = arith.index_cast %parallel_loop3A_421 : i32 to index
        %parallel_loop3A_469 = tpu.vector_load %arg8[%parallel_loop3A_468] {strides = array<i32>} : memref<2048xf32, #tpu.memory_space<vmem>>, vector<16xf32>,
        %parallel_loop3A_470 = arith.constant 256 : i32
        %parallel_loop3A_471 = arith.addi %parallel_loop3A_421, %parallel_loop3A_470 : i32
        %parallel_loop3A_472 = arith.index_cast %parallel_loop3A_471 : i32 to index
        %parallel_loop3A_473 = tpu.vector_load %arg8[%parallel_loop3A_472] {strides = array<i32>} : memref<2048xf32, #tpu.memory_space<vmem>>, vector<16xf32>,
        %parallel_loop3A_474 = arith.constant 512 : i32
        %parallel_loop3A_475 = arith.addi %parallel_loop3A_421, %parallel_loop3A_474 : i32
        %parallel_loop3A_476 = arith.index_cast %parallel_loop3A_475 : i32 to index
        %parallel_loop3A_477 = tpu.vector_load %arg8[%parallel_loop3A_476] {strides = array<i32>} : memref<2048xf32, #tpu.memory_space<vmem>>, vector<16xf32>,
        %parallel_loop3A_478 = arith.constant 768 : i32
        %parallel_loop3A_479 = arith.addi %parallel_loop3A_421, %parallel_loop3A_478 : i32
        %parallel_loop3A_480 = arith.index_cast %parallel_loop3A_479 : i32 to index
        %parallel_loop3A_481 = tpu.vector_load %arg8[%parallel_loop3A_480] {strides = array<i32>} : memref<2048xf32, #tpu.memory_space<vmem>>, vector<16xf32>,
        %parallel_loop3A_482 = arith.minimumf %parallel_loop3A_469, %parallel_loop3A_473 : vector<16xf32>
        %parallel_loop3A_483 = arith.cmpf ole, %parallel_loop3A_469, %parallel_loop3A_473 : vector<16xf32>
        %parallel_loop3A_484 = arith.constant 0 : i32
        %parallel_loop3A_485 = arith.constant 256 : i32
        %parallel_loop3A_486 = vector.broadcast %parallel_loop3A_484 : i32 to vector<16xi32>
        %parallel_loop3A_487 = vector.broadcast %parallel_loop3A_485 : i32 to vector<16xi32>
        %parallel_loop3A_488 = arith.select %parallel_loop3A_483, %parallel_loop3A_486, %parallel_loop3A_487 : vector<16xi1>, vector<16xi32>
        %parallel_loop3A_489 = arith.minimumf %parallel_loop3A_477, %parallel_loop3A_481 : vector<16xf32>
        %parallel_loop3A_490 = arith.cmpf ole, %parallel_loop3A_477, %parallel_loop3A_481 : vector<16xf32>
        %parallel_loop3A_491 = arith.constant 512 : i32
        %parallel_loop3A_492 = arith.constant 768 : i32
        %parallel_loop3A_493 = vector.broadcast %parallel_loop3A_491 : i32 to vector<16xi32>
        %parallel_loop3A_494 = vector.broadcast %parallel_loop3A_492 : i32 to vector<16xi32>
        %parallel_loop3A_495 = arith.select %parallel_loop3A_490, %parallel_loop3A_493, %parallel_loop3A_494 : vector<16xi1>, vector<16xi32>
        %parallel_loop3A_496 = arith.minimumf %parallel_loop3A_482, %parallel_loop3A_489 : vector<16xf32>
        %parallel_loop3A_497 = arith.cmpf ole, %parallel_loop3A_482, %parallel_loop3A_489 : vector<16xf32>
        %parallel_loop3A_498 = arith.select %parallel_loop3A_497, %parallel_loop3A_488, %parallel_loop3A_495 : vector<16xi1>, vector<16xi32>
        %parallel_loop3A_499 = arith.constant 0 : i32
        %parallel_loop3A_500 = vector.broadcast %parallel_loop3A_499 : i32 to vector<16xi32>
        %parallel_loop3A_501 = arith.addi %parallel_loop3A_419, %parallel_loop3A_500 : vector<16xi32>
        %parallel_loop3A_502 = arith.addi %parallel_loop3A_501, %parallel_loop3A_498 : vector<16xi32>
        %parallel_loop3A_503 = arith.constant dense<true> : vector<16xi1>
        %parallel_loop3A_504, %parallel_loop3A_505, %parallel_loop3A_506 = tpu.sort %parallel_loop3A_496, %parallel_loop3A_502 masked %parallel_loop3A_503 {descending = true} : (vector<16xf32>, vector<16xi32>, vector<16xi1>) -> (vector<16xi1>, vector<16xf32>, vector<16xi32>)
        %parallel_loop3A_507 = arith.cmpf ole, %parallel_loop3A_410, %parallel_loop3A_505 : vector<16xf32>
        %parallel_loop3A_508 = arith.select %parallel_loop3A_507, %parallel_loop3A_410, %parallel_loop3A_505 : vector<16xi1>, vector<16xf32>
        %parallel_loop3A_509 = arith.select %parallel_loop3A_507, %parallel_loop3A_411, %parallel_loop3A_506 : vector<16xi1>, vector<16xi32>
        %parallel_loop3A_510 = arith.constant dense<true> : vector<16xi1>
        %parallel_loop3A_511, %parallel_loop3A_512, %parallel_loop3A_513 = tpu.sort %parallel_loop3A_508, %parallel_loop3A_509 masked %parallel_loop3A_510 : (vector<16xf32>, vector<16xi32>, vector<16xi1>) -> (vector<16xi1>, vector<16xf32>, vector<16xi32>)
        %parallel_loop3A_514 = arith.constant 1024 : i32
        %parallel_loop3A_515 = arith.addi %parallel_loop3A_514, %parallel_loop3A_417 : i32
        %parallel_loop3A_516 = arith.index_cast %parallel_loop3A_515 : i32 to index
        %parallel_loop3A_517 = tpu.vector_load %arg6[%parallel_loop3A_516] {strides = array<i32>} : memref<2048xf32, #tpu.memory_space<vmem>>, vector<16xf32>,
        %parallel_loop3A_518 = arith.constant 256 : i32
        %parallel_loop3A_519 = arith.addi %parallel_loop3A_515, %parallel_loop3A_518 : i32
        %parallel_loop3A_520 = arith.index_cast %parallel_loop3A_519 : i32 to index
        %parallel_loop3A_521 = tpu.vector_load %arg6[%parallel_loop3A_520] {strides = array<i32>} : memref<2048xf32, #tpu.memory_space<vmem>>, vector<16xf32>,
        %parallel_loop3A_522 = arith.constant 512 : i32
        %parallel_loop3A_523 = arith.addi %parallel_loop3A_515, %parallel_loop3A_522 : i32
        %parallel_loop3A_524 = arith.index_cast %parallel_loop3A_523 : i32 to index
        %parallel_loop3A_525 = tpu.vector_load %arg6[%parallel_loop3A_524] {strides = array<i32>} : memref<2048xf32, #tpu.memory_space<vmem>>, vector<16xf32>,
        %parallel_loop3A_526 = arith.constant 768 : i32
        %parallel_loop3A_527 = arith.addi %parallel_loop3A_515, %parallel_loop3A_526 : i32
        %parallel_loop3A_528 = arith.index_cast %parallel_loop3A_527 : i32 to index
        %parallel_loop3A_529 = tpu.vector_load %arg6[%parallel_loop3A_528] {strides = array<i32>} : memref<2048xf32, #tpu.memory_space<vmem>>, vector<16xf32>,
        %parallel_loop3A_530 = arith.maximumf %parallel_loop3A_517, %parallel_loop3A_521 : vector<16xf32>
        %parallel_loop3A_531 = arith.cmpf oge, %parallel_loop3A_517, %parallel_loop3A_521 : vector<16xf32>
        %parallel_loop3A_532 = arith.constant 0 : i32
        %parallel_loop3A_533 = arith.constant 256 : i32
        %parallel_loop3A_534 = vector.broadcast %parallel_loop3A_532 : i32 to vector<16xi32>
        %parallel_loop3A_535 = vector.broadcast %parallel_loop3A_533 : i32 to vector<16xi32>
        %parallel_loop3A_536 = arith.select %parallel_loop3A_531, %parallel_loop3A_534, %parallel_loop3A_535 : vector<16xi1>, vector<16xi32>
        %parallel_loop3A_537 = arith.maximumf %parallel_loop3A_525, %parallel_loop3A_529 : vector<16xf32>
        %parallel_loop3A_538 = arith.cmpf oge, %parallel_loop3A_525, %parallel_loop3A_529 : vector<16xf32>
        %parallel_loop3A_539 = arith.constant 512 : i32
        %parallel_loop3A_540 = arith.constant 768 : i32
        %parallel_loop3A_541 = vector.broadcast %parallel_loop3A_539 : i32 to vector<16xi32>
        %parallel_loop3A_542 = vector.broadcast %parallel_loop3A_540 : i32 to vector<16xi32>
        %parallel_loop3A_543 = arith.select %parallel_loop3A_538, %parallel_loop3A_541, %parallel_loop3A_542 : vector<16xi1>, vector<16xi32>
        %parallel_loop3A_544 = arith.maximumf %parallel_loop3A_530, %parallel_loop3A_537 : vector<16xf32>
        %parallel_loop3A_545 = arith.cmpf oge, %parallel_loop3A_530, %parallel_loop3A_537 : vector<16xf32>
        %parallel_loop3A_546 = arith.select %parallel_loop3A_545, %parallel_loop3A_536, %parallel_loop3A_543 : vector<16xi1>, vector<16xi32>
        %parallel_loop3A_547 = arith.constant 1024 : i32
        %parallel_loop3A_548 = vector.broadcast %parallel_loop3A_547 : i32 to vector<16xi32>
        %parallel_loop3A_549 = arith.addi %parallel_loop3A_419, %parallel_loop3A_548 : vector<16xi32>
        %parallel_loop3A_550 = arith.addi %parallel_loop3A_549, %parallel_loop3A_546 : vector<16xi32>
        %parallel_loop3A_551 = arith.constant dense<true> : vector<16xi1>
        %parallel_loop3A_552, %parallel_loop3A_553, %parallel_loop3A_554 = tpu.sort %parallel_loop3A_544, %parallel_loop3A_550 masked %parallel_loop3A_551 : (vector<16xf32>, vector<16xi32>, vector<16xi1>) -> (vector<16xi1>, vector<16xf32>, vector<16xi32>)
        %parallel_loop3A_555 = arith.cmpf oge, %parallel_loop3A_412, %parallel_loop3A_553 : vector<16xf32>
        %parallel_loop3A_556 = arith.select %parallel_loop3A_555, %parallel_loop3A_412, %parallel_loop3A_553 : vector<16xi1>, vector<16xf32>
        %parallel_loop3A_557 = arith.select %parallel_loop3A_555, %parallel_loop3A_413, %parallel_loop3A_554 : vector<16xi1>, vector<16xi32>
        %parallel_loop3A_558 = arith.constant dense<true> : vector<16xi1>
        %parallel_loop3A_559, %parallel_loop3A_560, %parallel_loop3A_561 = tpu.sort %parallel_loop3A_556, %parallel_loop3A_557 masked %parallel_loop3A_558 {descending = true} : (vector<16xf32>, vector<16xi32>, vector<16xi1>) -> (vector<16xi1>, vector<16xf32>, vector<16xi32>)
        %parallel_loop3A_562 = arith.index_cast %parallel_loop3A_515 : i32 to index
        %parallel_loop3A_563 = tpu.vector_load %arg8[%parallel_loop3A_562] {strides = array<i32>} : memref<2048xf32, #tpu.memory_space<vmem>>, vector<16xf32>,
        %parallel_loop3A_564 = arith.constant 256 : i32
        %parallel_loop3A_565 = arith.addi %parallel_loop3A_515, %parallel_loop3A_564 : i32
        %parallel_loop3A_566 = arith.index_cast %parallel_loop3A_565 : i32 to index
        %parallel_loop3A_567 = tpu.vector_load %arg8[%parallel_loop3A_566] {strides = array<i32>} : memref<2048xf32, #tpu.memory_space<vmem>>, vector<16xf32>,
        %parallel_loop3A_568 = arith.constant 512 : i32
        %parallel_loop3A_569 = arith.addi %parallel_loop3A_515, %parallel_loop3A_568 : i32
        %parallel_loop3A_570 = arith.index_cast %parallel_loop3A_569 : i32 to index
        %parallel_loop3A_571 = tpu.vector_load %arg8[%parallel_loop3A_570] {strides = array<i32>} : memref<2048xf32, #tpu.memory_space<vmem>>, vector<16xf32>,
        %parallel_loop3A_572 = arith.constant 768 : i32
        %parallel_loop3A_573 = arith.addi %parallel_loop3A_515, %parallel_loop3A_572 : i32
        %parallel_loop3A_574 = arith.index_cast %parallel_loop3A_573 : i32 to index
        %parallel_loop3A_575 = tpu.vector_load %arg8[%parallel_loop3A_574] {strides = array<i32>} : memref<2048xf32, #tpu.memory_space<vmem>>, vector<16xf32>,
        %parallel_loop3A_576 = arith.minimumf %parallel_loop3A_563, %parallel_loop3A_567 : vector<16xf32>
        %parallel_loop3A_577 = arith.cmpf ole, %parallel_loop3A_563, %parallel_loop3A_567 : vector<16xf32>
        %parallel_loop3A_578 = arith.constant 0 : i32
        %parallel_loop3A_579 = arith.constant 256 : i32
        %parallel_loop3A_580 = vector.broadcast %parallel_loop3A_578 : i32 to vector<16xi32>
        %parallel_loop3A_581 = vector.broadcast %parallel_loop3A_579 : i32 to vector<16xi32>
        %parallel_loop3A_582 = arith.select %parallel_loop3A_577, %parallel_loop3A_580, %parallel_loop3A_581 : vector<16xi1>, vector<16xi32>
        %parallel_loop3A_583 = arith.minimumf %parallel_loop3A_571, %parallel_loop3A_575 : vector<16xf32>
        %parallel_loop3A_584 = arith.cmpf ole, %parallel_loop3A_571, %parallel_loop3A_575 : vector<16xf32>
        %parallel_loop3A_585 = arith.constant 512 : i32
        %parallel_loop3A_586 = arith.constant 768 : i32
        %parallel_loop3A_587 = vector.broadcast %parallel_loop3A_585 : i32 to vector<16xi32>
        %parallel_loop3A_588 = vector.broadcast %parallel_loop3A_586 : i32 to vector<16xi32>
        %parallel_loop3A_589 = arith.select %parallel_loop3A_584, %parallel_loop3A_587, %parallel_loop3A_588 : vector<16xi1>, vector<16xi32>
        %parallel_loop3A_590 = arith.minimumf %parallel_loop3A_576, %parallel_loop3A_583 : vector<16xf32>
        %parallel_loop3A_591 = arith.cmpf ole, %parallel_loop3A_576, %parallel_loop3A_583 : vector<16xf32>
        %parallel_loop3A_592 = arith.select %parallel_loop3A_591, %parallel_loop3A_582, %parallel_loop3A_589 : vector<16xi1>, vector<16xi32>
        %parallel_loop3A_593 = arith.constant 1024 : i32
        %parallel_loop3A_594 = vector.broadcast %parallel_loop3A_593 : i32 to vector<16xi32>
        %parallel_loop3A_595 = arith.addi %parallel_loop3A_419, %parallel_loop3A_594 : vector<16xi32>
        %parallel_loop3A_596 = arith.addi %parallel_loop3A_595, %parallel_loop3A_592 : vector<16xi32>
        %parallel_loop3A_597 = arith.constant dense<true> : vector<16xi1>
        %parallel_loop3A_598, %parallel_loop3A_599, %parallel_loop3A_600 = tpu.sort %parallel_loop3A_590, %parallel_loop3A_596 masked %parallel_loop3A_597 {descending = true} : (vector<16xf32>, vector<16xi32>, vector<16xi1>) -> (vector<16xi1>, vector<16xf32>, vector<16xi32>)
        %parallel_loop3A_601 = arith.cmpf ole, %parallel_loop3A_414, %parallel_loop3A_599 : vector<16xf32>
        %parallel_loop3A_602 = arith.select %parallel_loop3A_601, %parallel_loop3A_414, %parallel_loop3A_599 : vector<16xi1>, vector<16xf32>
        %parallel_loop3A_603 = arith.select %parallel_loop3A_601, %parallel_loop3A_415, %parallel_loop3A_600 : vector<16xi1>, vector<16xi32>
        %parallel_loop3A_604 = arith.constant dense<true> : vector<16xi1>
        %parallel_loop3A_605, %parallel_loop3A_606, %parallel_loop3A_607 = tpu.sort %parallel_loop3A_602, %parallel_loop3A_603 masked %parallel_loop3A_604 : (vector<16xf32>, vector<16xi32>, vector<16xi1>) -> (vector<16xi1>, vector<16xf32>, vector<16xi32>)
        scf.yield %parallel_loop3A_466, %parallel_loop3A_467, %parallel_loop3A_512, %parallel_loop3A_513, %parallel_loop3A_560, %parallel_loop3A_561, %parallel_loop3A_606, %parallel_loop3A_607 : vector<16xf32>, vector<16xi32>, vector<16xf32>, vector<16xi32>, vector<16xf32>, vector<16xi32>, vector<16xf32>, vector<16xi32>
      } {sc.loop_unroll_factor = 4 : i64, sc.parallel_access}
      %rev3A_247 = arith.constant 15 : i32
      %rev3A_248 = vector.broadcast %rev3A_247 : i32 to vector<16xi32>
      %rev3A_249 = tpu.iota {dimensions = array<i32: 0>} : vector<16xi32>
      %rev3A_250 = arith.subi %rev3A_248, %rev3A_249 : vector<16xi32>
      %rev3A_251 = tpu.dynamic_gather %parallel_loop3A_246#4[%rev3A_250] in [0] : vector<16xf32>, vector<16xi32> -> vector<16xf32>
      %rev3A_252 = arith.constant 15 : i32
      %rev3A_253 = vector.broadcast %rev3A_252 : i32 to vector<16xi32>
      %rev3A_254 = tpu.iota {dimensions = array<i32: 0>} : vector<16xi32>
      %rev3A_255 = arith.subi %rev3A_253, %rev3A_254 : vector<16xi32>
      %rev3A_256 = tpu.dynamic_gather %parallel_loop3A_246#5[%rev3A_255] in [0] : vector<16xi32>, vector<16xi32> -> vector<16xi32>
      %masked_sort3A_257 = arith.constant dense<true> : vector<16xi1>
      %masked_sort3A_258, %masked_sort3A_259, %masked_sort3A_260 = tpu.sort %rev3A_251, %rev3A_256 masked %masked_sort3A_257 : (vector<16xf32>, vector<16xi32>, vector<16xi1>) -> (vector<16xi1>, vector<16xf32>, vector<16xi32>)
      %ge3A_261 = arith.cmpf oge, %parallel_loop3A_246#0, %masked_sort3A_259 : vector<16xf32>
      %select_n3A_262 = arith.select %ge3A_261, %parallel_loop3A_246#0, %masked_sort3A_259 : vector<16xi1>, vector<16xf32>
      %select_n3A_263 = arith.select %ge3A_261, %parallel_loop3A_246#1, %masked_sort3A_260 : vector<16xi1>, vector<16xi32>
      %masked_sort3A_264 = arith.constant dense<true> : vector<16xi1>
      %masked_sort3A_265, %masked_sort3A_266, %masked_sort3A_267 = tpu.sort %select_n3A_262, %select_n3A_263 masked %masked_sort3A_264 {descending = true} : (vector<16xf32>, vector<16xi32>, vector<16xi1>) -> (vector<16xi1>, vector<16xf32>, vector<16xi32>)
      %rev3A_268 = arith.constant 15 : i32
      %rev3A_269 = vector.broadcast %rev3A_268 : i32 to vector<16xi32>
      %rev3A_270 = tpu.iota {dimensions = array<i32: 0>} : vector<16xi32>
      %rev3A_271 = arith.subi %rev3A_269, %rev3A_270 : vector<16xi32>
      %rev3A_272 = tpu.dynamic_gather %parallel_loop3A_246#6[%rev3A_271] in [0] : vector<16xf32>, vector<16xi32> -> vector<16xf32>
      %rev3A_273 = arith.constant 15 : i32
      %rev3A_274 = vector.broadcast %rev3A_273 : i32 to vector<16xi32>
      %rev3A_275 = tpu.iota {dimensions = array<i32: 0>} : vector<16xi32>
      %rev3A_276 = arith.subi %rev3A_274, %rev3A_275 : vector<16xi32>
      %rev3A_277 = tpu.dynamic_gather %parallel_loop3A_246#7[%rev3A_276] in [0] : vector<16xi32>, vector<16xi32> -> vector<16xi32>
      %masked_sort3A_278 = arith.constant dense<true> : vector<16xi1>
      %masked_sort3A_279, %masked_sort3A_280, %masked_sort3A_281 = tpu.sort %rev3A_272, %rev3A_277 masked %masked_sort3A_278 {descending = true} : (vector<16xf32>, vector<16xi32>, vector<16xi1>) -> (vector<16xi1>, vector<16xf32>, vector<16xi32>)
      %le3A_282 = arith.cmpf ole, %parallel_loop3A_246#2, %masked_sort3A_280 : vector<16xf32>
      %select_n3A_283 = arith.select %le3A_282, %parallel_loop3A_246#2, %masked_sort3A_280 : vector<16xi1>, vector<16xf32>
      %select_n3A_284 = arith.select %le3A_282, %parallel_loop3A_246#3, %masked_sort3A_281 : vector<16xi1>, vector<16xi32>
      %masked_sort3A_285 = arith.constant dense<true> : vector<16xi1>
      %masked_sort3A_286, %masked_sort3A_287, %masked_sort3A_288 = tpu.sort %select_n3A_283, %select_n3A_284 masked %masked_sort3A_285 : (vector<16xf32>, vector<16xi32>, vector<16xi1>) -> (vector<16xi1>, vector<16xf32>, vector<16xi32>)
      %and3A_289 = arith.constant -769 : i32
      %and3A_290 = vector.broadcast %and3A_289 : i32 to vector<16xi32>
      %and3A_291 = arith.andi %masked_sort3A_267, %and3A_290 : vector<16xi32>
      %rev3A_292 = arith.constant 15 : i32
      %rev3A_293 = vector.broadcast %rev3A_292 : i32 to vector<16xi32>
      %rev3A_294 = tpu.iota {dimensions = array<i32: 0>} : vector<16xi32>
      %rev3A_295 = arith.subi %rev3A_293, %rev3A_294 : vector<16xi32>
      %rev3A_296 = tpu.dynamic_gather %and3A_291[%rev3A_295] in [0] : vector<16xi32>, vector<16xi32> -> vector<16xi32>
      %add3A_297 = arith.constant 256 : i32
      %add3A_298 = vector.broadcast %add3A_297 : i32 to vector<16xi32>
      %add3A_299 = arith.addi %rev3A_296, %add3A_298 : vector<16xi32>
      %select_n3A_300 = arith.select %lt3A_2, %and3A_291, %add3A_299 : vector<16xi1>, vector<16xi32>
      %add3A_301 = arith.constant 512 : i32
      %add3A_302 = vector.broadcast %add3A_301 : i32 to vector<16xi32>
      %add3A_303 = arith.addi %and3A_291, %add3A_302 : vector<16xi32>
      %add3A_304 = arith.constant 768 : i32
      %add3A_305 = vector.broadcast %add3A_304 : i32 to vector<16xi32>
      %add3A_306 = arith.addi %rev3A_296, %add3A_305 : vector<16xi32>
      %select_n3A_307 = arith.select %lt3A_2, %add3A_303, %add3A_306 : vector<16xi1>, vector<16xi32>
      %gather3A_308 = tpu.vector_load_idx %arg6[%select_n3A_300] : memref<2048xf32, #tpu.memory_space<vmem>>[vector<16xi32>], vector<16xf32>,
      %gather3A_309 = tpu.vector_load_idx %arg6[%select_n3A_307] : memref<2048xf32, #tpu.memory_space<vmem>>[vector<16xi32>], vector<16xf32>,
      %masked_sort3A_310 = arith.constant dense<true> : vector<16xi1>
      %masked_sort3A_311, %masked_sort3A_312, %masked_sort3A_313 = tpu.sort %gather3A_308, %select_n3A_300 masked %masked_sort3A_310 {descending = true} : (vector<16xf32>, vector<16xi32>, vector<16xi1>) -> (vector<16xi1>, vector<16xf32>, vector<16xi32>)
      %masked_sort3A_314 = arith.constant dense<true> : vector<16xi1>
      %masked_sort3A_315, %masked_sort3A_316, %masked_sort3A_317 = tpu.sort %gather3A_309, %select_n3A_307 masked %masked_sort3A_314 : (vector<16xf32>, vector<16xi32>, vector<16xi1>) -> (vector<16xi1>, vector<16xf32>, vector<16xi32>)
      %ge3A_318 = arith.cmpf oge, %masked_sort3A_312, %masked_sort3A_316 : vector<16xf32>
      %select_n3A_319 = arith.select %ge3A_318, %masked_sort3A_312, %masked_sort3A_316 : vector<16xi1>, vector<16xf32>
      %select_n3A_320 = arith.select %ge3A_318, %masked_sort3A_313, %masked_sort3A_317 : vector<16xi1>, vector<16xi32>
      %masked_sort3A_321 = arith.constant dense<true> : vector<16xi1>
      %masked_sort3A_322, %masked_sort3A_323, %masked_sort3A_324 = tpu.sort %select_n3A_319, %select_n3A_320 masked %masked_sort3A_321 {descending = true} : (vector<16xf32>, vector<16xi32>, vector<16xi1>) -> (vector<16xi1>, vector<16xf32>, vector<16xi32>)
      %and3A_325 = arith.constant -769 : i32
      %and3A_326 = vector.broadcast %and3A_325 : i32 to vector<16xi32>
      %and3A_327 = arith.andi %masked_sort3A_288, %and3A_326 : vector<16xi32>
      %rev3A_328 = arith.constant 15 : i32
      %rev3A_329 = vector.broadcast %rev3A_328 : i32 to vector<16xi32>
      %rev3A_330 = tpu.iota {dimensions = array<i32: 0>} : vector<16xi32>
      %rev3A_331 = arith.subi %rev3A_329, %rev3A_330 : vector<16xi32>
      %rev3A_332 = tpu.dynamic_gather %and3A_327[%rev3A_331] in [0] : vector<16xi32>, vector<16xi32> -> vector<16xi32>
      %add3A_333 = arith.constant 256 : i32
      %add3A_334 = vector.broadcast %add3A_333 : i32 to vector<16xi32>
      %add3A_335 = arith.addi %rev3A_332, %add3A_334 : vector<16xi32>
      %select_n3A_336 = arith.select %lt3A_2, %and3A_327, %add3A_335 : vector<16xi1>, vector<16xi32>
      %add3A_337 = arith.constant 512 : i32
      %add3A_338 = vector.broadcast %add3A_337 : i32 to vector<16xi32>
      %add3A_339 = arith.addi %and3A_327, %add3A_338 : vector<16xi32>
      %add3A_340 = arith.constant 768 : i32
      %add3A_341 = vector.broadcast %add3A_340 : i32 to vector<16xi32>
      %add3A_342 = arith.addi %rev3A_332, %add3A_341 : vector<16xi32>
      %select_n3A_343 = arith.select %lt3A_2, %add3A_339, %add3A_342 : vector<16xi1>, vector<16xi32>
      %gather3A_344 = tpu.vector_load_idx %arg8[%select_n3A_336] : memref<2048xf32, #tpu.memory_space<vmem>>[vector<16xi32>], vector<16xf32>,
      %gather3A_345 = tpu.vector_load_idx %arg8[%select_n3A_343] : memref<2048xf32, #tpu.memory_space<vmem>>[vector<16xi32>], vector<16xf32>,
      %masked_sort3A_346 = arith.constant dense<true> : vector<16xi1>
      %masked_sort3A_347, %masked_sort3A_348, %masked_sort3A_349 = tpu.sort %gather3A_344, %select_n3A_336 masked %masked_sort3A_346 : (vector<16xf32>, vector<16xi32>, vector<16xi1>) -> (vector<16xi1>, vector<16xf32>, vector<16xi32>)
      %masked_sort3A_350 = arith.constant dense<true> : vector<16xi1>
      %masked_sort3A_351, %masked_sort3A_352, %masked_sort3A_353 = tpu.sort %gather3A_345, %select_n3A_343 masked %masked_sort3A_350 {descending = true} : (vector<16xf32>, vector<16xi32>, vector<16xi1>) -> (vector<16xi1>, vector<16xf32>, vector<16xi32>)
      %le3A_354 = arith.cmpf ole, %masked_sort3A_348, %masked_sort3A_352 : vector<16xf32>
      %select_n3A_355 = arith.select %le3A_354, %masked_sort3A_348, %masked_sort3A_352 : vector<16xi1>, vector<16xf32>
      %select_n3A_356 = arith.select %le3A_354, %masked_sort3A_349, %masked_sort3A_353 : vector<16xi1>, vector<16xi32>
      %masked_sort3A_357 = arith.constant dense<true> : vector<16xi1>
      %masked_sort3A_358, %masked_sort3A_359, %masked_sort3A_360 = tpu.sort %select_n3A_355, %select_n3A_356 masked %masked_sort3A_357 : (vector<16xf32>, vector<16xi32>, vector<16xi1>) -> (vector<16xi1>, vector<16xf32>, vector<16xi32>)
      %rev3A_361 = arith.constant 15 : i32
      %rev3A_362 = vector.broadcast %rev3A_361 : i32 to vector<16xi32>
      %rev3A_363 = tpu.iota {dimensions = array<i32: 0>} : vector<16xi32>
      %rev3A_364 = arith.subi %rev3A_362, %rev3A_363 : vector<16xi32>
      %rev3A_365 = tpu.dynamic_gather %masked_sort3A_360[%rev3A_364] in [0] : vector<16xi32>, vector<16xi32> -> vector<16xi32>
      %select_n3A_366 = arith.select %lt3A_2, %masked_sort3A_324, %rev3A_365 : vector<16xi1>, vector<16xi32>
      %broadcast_in_dim3A_367 = arith.constant 99 : i32
      %broadcast_in_dim3A_368 = vector.broadcast %broadcast_in_dim3A_367 : i32 to vector<16xi32>
      tpu.vector_store_idx %arg11[%select_n3A_366], %broadcast_in_dim3A_368 : memref<2048xi32, #tpu.memory_space<vmem>>[vector<16xi32>], vector<16xi32>,
      tpu.vector_store_idx %arg11[%select_n3A_366], %iota3A masked %lt3A_2 : memref<2048xi32, #tpu.memory_space<vmem>>[vector<16xi32>], vector<16xi32>, vector<16xi1>
      %gather3A_369 = tpu.vector_load_idx %arg11[%select_n3A_366] : memref<2048xi32, #tpu.memory_space<vmem>>[vector<16xi32>], vector<16xi32>,
      %lt3A_370 = arith.constant 8 : i32
      %lt3A_371 = vector.broadcast %lt3A_370 : i32 to vector<16xi32>
      %lt3A_372 = arith.cmpi slt, %gather3A_369, %lt3A_371 : vector<16xi32>
      %and3A_373 = arith.andi %ge3A_4, %lt3A_372 : vector<16xi1>
      %gather3A_374 = tpu.vector_load_idx %arg6[%select_n3A_366] : memref<2048xf32, #tpu.memory_space<vmem>>[vector<16xi32>], vector<16xf32>,
      %gather3A_375 = tpu.vector_load_idx %arg8[%select_n3A_366] : memref<2048xf32, #tpu.memory_space<vmem>>[vector<16xi32>], vector<16xf32>,
      %lt3A_376 = arith.constant 15 : i32
      %lt3A_377 = arith.cmpi slt, %scan3A_60, %lt3A_376 : i32
      %convert_element_type3A_378 = arith.extui %lt3A_377 : i1 to i32
      %cond3A_379 = arith.constant 0 : i32
      %cond3A_380 = arith.cmpi ne, %convert_element_type3A_378, %cond3A_379 : i32
      scf.if %cond3A_380 {
        %add3A_407 = arith.constant 2 : i32
        %add3A_408 = arith.addi %add3A_230, %add3A_407 : i32
        %dma_start3A_409 = arith.constant 0 : i32
        %dma_start3A_410 = tpu.memref_slice %arg2[%add3A_408, %dma_start3A_409] : memref<1024x2048xf32, #tpu.memory_space<hbm>> -> memref<1x2048xf32, #tpu.memory_space<hbm>>
        %dma_start3A_411 = tpu.memref_squeeze %dma_start3A_410 : memref<1x2048xf32, #tpu.memory_space<hbm>> -> memref<2048xf32, #tpu.memory_space<hbm>>
        %dma_start3A_412 = arith.constant 0 : i32
        %dma_start3A_413 = tpu.memref_slice %arg2[%add3A_408, %dma_start3A_412] : memref<1024x2048xf32, #tpu.memory_space<hbm>> -> memref<1x2048xf32, #tpu.memory_space<hbm>>
        %dma_start3A_414 = tpu.memref_squeeze %dma_start3A_413 : memref<1x2048xf32, #tpu.memory_space<hbm>> -> memref<2048xf32, #tpu.memory_space<hbm>>
        tpu.enqueue_dma source(%dma_start3A_414 : memref<2048xf32, #tpu.memory_space<hbm>>) target(%arg6 : memref<2048xf32, #tpu.memory_space<vmem>>) target_semaphore(%arg14 : memref<!tpu.dma_semaphore, #tpu.memory_space<semaphore_mem>>)
        %dma_start3A_415 = arith.constant 0 : i32
        %dma_start3A_416 = tpu.memref_slice %arg3[%add3A_408, %dma_start3A_415] : memref<1024x2048xf32, #tpu.memory_space<hbm>> -> memref<1x2048xf32, #tpu.memory_space<hbm>>
        %dma_start3A_417 = tpu.memref_squeeze %dma_start3A_416 : memref<1x2048xf32, #tpu.memory_space<hbm>> -> memref<2048xf32, #tpu.memory_space<hbm>>
        %dma_start3A_418 = arith.constant 0 : i32
        %dma_start3A_419 = tpu.memref_slice %arg3[%add3A_408, %dma_start3A_418] : memref<1024x2048xf32, #tpu.memory_space<hbm>> -> memref<1x2048xf32, #tpu.memory_space<hbm>>
        %dma_start3A_420 = tpu.memref_squeeze %dma_start3A_419 : memref<1x2048xf32, #tpu.memory_space<hbm>> -> memref<2048xf32, #tpu.memory_space<hbm>>
        tpu.enqueue_dma source(%dma_start3A_420 : memref<2048xf32, #tpu.memory_space<hbm>>) target(%arg8 : memref<2048xf32, #tpu.memory_space<vmem>>) target_semaphore(%arg15 : memref<!tpu.dma_semaphore, #tpu.memory_space<semaphore_mem>>)
      } else {
      }
      %ge3A_381 = arith.constant 1 : i32
      %ge3A_382 = arith.cmpi sge, %scan3A_60, %ge3A_381 : i32
      %convert_element_type3A_383 = arith.extui %ge3A_382 : i1 to i32
      %cond3A_384 = arith.constant 0 : i32
      %cond3A_385 = arith.cmpi ne, %convert_element_type3A_383, %cond3A_384 : i32
      scf.if %cond3A_385 {
        %sub3A_407 = arith.constant 2 : i32
        %sub3A_408 = arith.subi %add3A_230, %sub3A_407 : i32
        %dma_wait3A_409 = arith.constant 0 : i32
        %dma_wait3A_410 = tpu.memref_slice %arg4[%sub3A_408, %dma_wait3A_409] : memref<1024x248xf32, #tpu.memory_space<hbm>> -> memref<1x248xf32, #tpu.memory_space<hbm>>
        %dma_wait3A_411 = tpu.memref_squeeze %dma_wait3A_410 : memref<1x248xf32, #tpu.memory_space<hbm>> -> memref<248xf32, #tpu.memory_space<hbm>>
        %dma_wait3A_412 = arith.constant 0 : i32
        %dma_wait3A_413 = tpu.memref_slice %arg4[%sub3A_408, %dma_wait3A_412] : memref<1024x248xf32, #tpu.memory_space<hbm>> -> memref<1x248xf32, #tpu.memory_space<hbm>>
        %dma_wait3A_414 = tpu.memref_squeeze %dma_wait3A_413 : memref<1x248xf32, #tpu.memory_space<hbm>> -> memref<248xf32, #tpu.memory_space<hbm>>
        tpu.wait_dma2 semaphore(%arg17 : memref<!tpu.dma_semaphore, #tpu.memory_space<semaphore_mem>>) src(%arg10 : memref<248xf32, #tpu.memory_space<vmem>>) dst(%dma_wait3A_414 : memref<248xf32, #tpu.memory_space<hbm>>)
      } else {
      }
      %min3A_386 = arith.constant 7 : i32
      %min3A_387 = vector.broadcast %min3A_386 : i32 to vector<16xi32>
      %min3A_388 = arith.minsi %iota3A, %min3A_387 : vector<16xi32>
      %mul3A_389 = arith.constant 31 : i32
      %mul3A_390 = vector.broadcast %mul3A_389 : i32 to vector<16xi32>
      %mul3A_391 = arith.muli %min3A_388, %mul3A_390 : vector<16xi32>
      %jit3A_392 = arith.constant -9.000000e+00 : f32
      %broadcast_in_dim3A_393 = vector.broadcast %jit3A_392 : f32 to vector<16xf32>
      %select_n3A_394 = arith.select %and3A_373, %broadcast_in_dim3A_393, %gather3A_374 : vector<16xi1>, vector<16xf32>
      %jit3A_395 = arith.constant 9.000000e+00 : f32
      %broadcast_in_dim3A_396 = vector.broadcast %jit3A_395 : f32 to vector<16xf32>
      %select_n3A_397 = arith.select %and3A_373, %broadcast_in_dim3A_396, %gather3A_375 : vector<16xi1>, vector<16xf32>
      %parallel_loop3A_398 = arith.constant 0 : i32
      %parallel_loop3A_399 = arith.constant 31 : i32
      %parallel_loop3A_400 = arith.constant 1 : i32
      scf.for %parallel_loop3A_407 = %parallel_loop3A_398 to %parallel_loop3A_399 step %parallel_loop3A_400  : i32 {
        %parallel_loop3A_408 = arith.sitofp %parallel_loop3A_407 : i32 to f32
        %parallel_loop3A_409 = arith.constant 0.0322580636 : f32
        %parallel_loop3A_410 = arith.mulf %parallel_loop3A_408, %parallel_loop3A_409 : f32
        %parallel_loop3A_411 = vector.broadcast %parallel_loop3A_410 : f32 to vector<16xf32>
        %parallel_loop3A_412 = arith.subf %select_n3A_394, %parallel_loop3A_411 : vector<16xf32>
        %parallel_loop3A_413 = vector.broadcast %parallel_loop3A_410 : f32 to vector<16xf32>
        %parallel_loop3A_414 = arith.subf %parallel_loop3A_413, %select_n3A_397 : vector<16xf32>
        %parallel_loop3A_415 = arith.maximumf %parallel_loop3A_412, %parallel_loop3A_414 : vector<16xf32>
        %parallel_loop3A_416 = arith.constant 0.000000e+00 : f32
        %parallel_loop3A_417 = vector.broadcast %parallel_loop3A_416 : f32 to vector<16xf32>
        %parallel_loop3A_418 = arith.maximumf %parallel_loop3A_415, %parallel_loop3A_417 : vector<16xf32>
        %parallel_loop3A_419 = arith.constant dense<true> : vector<16xi1>
        %parallel_loop3A_420, %parallel_loop3A_421, %parallel_loop3A_422 = tpu.sort %parallel_loop3A_418, %parallel_loop3A_418 masked %parallel_loop3A_419 {descending = true} : (vector<16xf32>, vector<16xf32>, vector<16xi1>) -> (vector<16xi1>, vector<16xf32>, vector<16xf32>)
        %parallel_loop3A_423 = vector.broadcast %parallel_loop3A_407 : i32 to vector<16xi32>
        %parallel_loop3A_424 = arith.addi %mul3A_391, %parallel_loop3A_423 : vector<16xi32>
        tpu.vector_store_idx %arg10[%parallel_loop3A_424], %parallel_loop3A_421 masked %lt3A_2 : memref<248xf32, #tpu.memory_space<vmem>>[vector<16xi32>], vector<16xf32>, vector<16xi1>
      } {sc.loop_unroll_factor = 4 : i64, sc.parallel_access}
      %dma_start3A_401 = arith.constant 0 : i32
      %dma_start3A_402 = tpu.memref_slice %arg4[%add3A_230, %dma_start3A_401] : memref<1024x248xf32, #tpu.memory_space<hbm>> -> memref<1x248xf32, #tpu.memory_space<hbm>>
      %dma_start3A_403 = tpu.memref_squeeze %dma_start3A_402 : memref<1x248xf32, #tpu.memory_space<hbm>> -> memref<248xf32, #tpu.memory_space<hbm>>
      %dma_start3A_404 = arith.constant 0 : i32
      %dma_start3A_405 = tpu.memref_slice %arg4[%add3A_230, %dma_start3A_404] : memref<1024x248xf32, #tpu.memory_space<hbm>> -> memref<1x248xf32, #tpu.memory_space<hbm>>
      %dma_start3A_406 = tpu.memref_squeeze %dma_start3A_405 : memref<1x248xf32, #tpu.memory_space<hbm>> -> memref<248xf32, #tpu.memory_space<hbm>>
      tpu.enqueue_dma source(%arg10 : memref<248xf32, #tpu.memory_space<vmem>>) target(%dma_start3A_406 : memref<248xf32, #tpu.memory_space<hbm>>) target_semaphore(%arg17 : memref<!tpu.dma_semaphore, #tpu.memory_space<semaphore_mem>>)
    }
    %scan3A_41 = arith.constant 16 : i32
    %add3A_42 = arith.constant 32 : i32
    %add3A_43 = arith.addi %mul3A_6, %add3A_42 : i32
    %sub3A = arith.constant 2 : i32
    %sub3A_44 = arith.subi %add3A_43, %sub3A : i32
    %dma_wait3A = arith.constant 0 : i32
    %dma_wait3A_45 = tpu.memref_slice %arg4[%sub3A_44, %dma_wait3A] : memref<1024x248xf32, #tpu.memory_space<hbm>> -> memref<1x248xf32, #tpu.memory_space<hbm>>
    %dma_wait3A_46 = tpu.memref_squeeze %dma_wait3A_45 : memref<1x248xf32, #tpu.memory_space<hbm>> -> memref<248xf32, #tpu.memory_space<hbm>>
    %dma_wait3A_47 = arith.constant 0 : i32
    %dma_wait3A_48 = tpu.memref_slice %arg4[%sub3A_44, %dma_wait3A_47] : memref<1024x248xf32, #tpu.memory_space<hbm>> -> memref<1x248xf32, #tpu.memory_space<hbm>>
    %dma_wait3A_49 = tpu.memref_squeeze %dma_wait3A_48 : memref<1x248xf32, #tpu.memory_space<hbm>> -> memref<248xf32, #tpu.memory_space<hbm>>
    tpu.wait_dma2 semaphore(%arg16 : memref<!tpu.dma_semaphore, #tpu.memory_space<semaphore_mem>>) src(%arg9 : memref<248xf32, #tpu.memory_space<vmem>>) dst(%dma_wait3A_49 : memref<248xf32, #tpu.memory_space<hbm>>)
    %add3A_50 = arith.constant 32 : i32
    %add3A_51 = arith.addi %mul3A_6, %add3A_50 : i32
    %sub3A_52 = arith.constant 1 : i32
    %sub3A_53 = arith.subi %add3A_51, %sub3A_52 : i32
    %dma_wait3A_54 = arith.constant 0 : i32
    %dma_wait3A_55 = tpu.memref_slice %arg4[%sub3A_53, %dma_wait3A_54] : memref<1024x248xf32, #tpu.memory_space<hbm>> -> memref<1x248xf32, #tpu.memory_space<hbm>>
    %dma_wait3A_56 = tpu.memref_squeeze %dma_wait3A_55 : memref<1x248xf32, #tpu.memory_space<hbm>> -> memref<248xf32, #tpu.memory_space<hbm>>
    %dma_wait3A_57 = arith.constant 0 : i32
    %dma_wait3A_58 = tpu.memref_slice %arg4[%sub3A_53, %dma_wait3A_57] : memref<1024x248xf32, #tpu.memory_space<hbm>> -> memref<1x248xf32, #tpu.memory_space<hbm>>
    %dma_wait3A_59 = tpu.memref_squeeze %dma_wait3A_58 : memref<1x248xf32, #tpu.memory_space<hbm>> -> memref<248xf32, #tpu.memory_space<hbm>>
    tpu.wait_dma2 semaphore(%arg17 : memref<!tpu.dma_semaphore, #tpu.memory_space<semaphore_mem>>) src(%arg10 : memref<248xf32, #tpu.memory_space<vmem>>) dst(%dma_wait3A_59 : memref<248xf32, #tpu.memory_space<hbm>>)
    return
  }
}

</mosaic_0001>

<sc_bundles>
// kernel: kernel.3.cloned.1.call-start
scs
__scs_entry_jumppad:
0x0: {  	(pc) =	sbr.rel $0x88, $3  }
0x1: {  	(tag) =	ssettag $0x0;
	lr =	simm.s32 $0x1  }
0x2: {  	[smem:$0x3F9F] =	sst lr;
	_ =	strace $0xD0000000  }
0x3: {  	_ = 	snop  }
0x4: {  	_ = 	snop  }
0x5: {  	_ = 	snop  }
0x6: {  	_ = 	snop  }
0x7: {  	_ = 	snop  }
__scs_overlays_trampoline_lowered:
0x8: {  	[smem:$0x3FAE] =	sst s0  }
0x9: {  	[smem:$0x3FAF] =	sst s1  }
0xa: {  	[smem:$0x3FB0] =	sst s2  }
0xb: {  	[smem:$0x3FB1] =	sst s3  }
0xc: {  	[smem:$0x3FB2] =	sst s4  }
0xd: {  	[smem:$0x3FB3] =	sst s5  }
0xe: {  	[smem:$0x3FB4] =	sst s6  }
0xf: {  	[smem:$0x3FB5] =	sst s7  }
0x10: {  	[smem:$0x3FB6] =	sst s8  }
0x11: {  	[smem:$0x3FB7] =	sst s9;
	s0 =	simm.s32 @!p0 $0x0  }
0x12: {  	s1 =	sld [smem:$0x3F9D];
	s0 =	simm.s32 @p0 $0x1  }
0x13: {  	[smem:$0x3FB8] =	sst s0;
	s0 =	simm.s32 @!p1 $0x0  }
0x14: {  	s2 =	sld [smem:$0x3F9C];
	s0 =	simm.s32 @p1 $0x1  }
0x15: {  	[smem:$0x3FB9] =	sst s0;
	s0 =	simm.s32 @!p2 $0x0  }
0x16: {  	s3 =	sld [smem:$0x3FDB];
	s0 =	simm.s32 @p2 $0x1  }
0x17: {  	s4 =	simm.s32 $0x1BF5;
	[smem:$0x3FBB] =	sst s0  }
0x18: {  	s0 =	sld [smem:$0x3F9E];
	_ =	swait.ge [sflag:s4], $0x0  }
0x19: {  	s7 =	sld [smem:$0x3F9F]  }
0x1a: {  	s8 =	sadd.s32 $0xFFFFE003, lr  }
0x1b: {  	s9 =	sadd.s32 $0xFFFFFEF7, lr;
	s5 =	simm.s32 $0xFFFFFFFF;
	p2 =	slt.u32 s8, $0xFFFFF086  }
0x1c: {  	p1 =	slt.u32 s9, $0xF7A;
	s5 =	simm.s32 @!p2 $0x0  }
0x1d: {  	s5 =	simm.s32 @p1 $0x1;
	p0 =	seq.s32 s7, s2  }
0x1e: {  	s7 =	smul.u32 @!p0 $0xF7A, s2;
	p2 =	seq.s32 @!p0 s5, $0x0  }
0x1f: {  	s9 =	smul.u32 $0xF7A, s1;
	s8 =	simm.s32 @!p0 $0x1BF5;
	p2 =	por !p2, p0  }
0x20: {  	[sflag:s8] =	ssyncset.s32 @!p0 $0xFFFFF086;
	s6 =	sadd.s32 @!p0 s3, s7;
	s7 =	simm.s32 @!p0 $0x108  }
0x21: {  	s3 =	sadd.s32 s3, s9;
	s6 =	sadd.s32 @!p0 $0x88, s6;
	s7 =	simm.s32 @p2 $0x1082  }
0x22: {  	[simem:s7], [sflag:s8] =	dma.local @!p0 [hbm:s6], $0xF7A  }
0x23: {  	s9 =	sor.u32 $0xD0000000, s2;
	s6 =	simm.s32 $0x108;
	_ =	swait.ge @!p0 [sflag:s8], $0x0  }
0x24: {  	s3 =	sadd.s32 $0x88, s3;
	s6 =	simm.s32 @!p1 $0x1082;
	[sflag:s4] =	ssyncset.s32 $0xFFFFF086  }
0x25: {  	[simem:s6], [sflag:s4] =	dma.local [hbm:s3], $0xF7A  }
0x26: {  	[smem:$0x3F9F] =	sst s1;
	(tag) =	ssettag s2;
	_ =	strace s9  }
0x27: {  	s1 =	sld [smem:$0x3FAF]  }
0x28: {  	s2 =	sld [smem:$0x3FB0]  }
0x29: {  	s4 =	sld [smem:$0x3FB2]  }
0x2a: {  	p0 =	seq.s32 s5, $0x0;
	s5 =	sld [smem:$0x3FB3]  }
0x2b: {  	s6 =	sld [smem:$0x3FB4]  }
0x2c: {  	s7 =	sld [smem:$0x3FB5]  }
0x2d: {  	s3 =	simm.s32 $0x108;
	s8 =	sld [smem:$0x3FB6]  }
0x2e: {  	s3 =	simm.s32 @!p0 $0x1082;
	s9 =	sld [smem:$0x3FB7]  }
0x2f: {  	lr =	sadd.s32 s0, s3;
	s0 =	sld [smem:$0x3FAE]  }
0x30: {  	s3 =	sld [smem:$0x3FB1]  }
0x31: {  	[smem:$0x3FBA] =	sst s10  }
0x32: {  	s10 =	sld [smem:$0x3FB8];
	_ =	sdelay $0x3  }
0x33: {  	p0 =	seq.s32 s10, $0x1;
	s10 =	sld [smem:$0x3FBA];
	_ =	sdelay $0x3  }
0x34: {  	[smem:$0x3FBA] =	sst s10  }
0x35: {  	s10 =	sld [smem:$0x3FB9];
	_ =	sdelay $0x3  }
0x36: {  	p1 =	seq.s32 s10, $0x1;
	s10 =	sld [smem:$0x3FBA];
	_ =	sdelay $0x3  }
0x37: {  	[smem:$0x3FBA] =	sst s10  }
0x38: {  	s10 =	sld [smem:$0x3FBB]  }
0x39: {  	_ = 	snop;
	(pc) =	sbr.ind lr, $3  }
0x3a: {  	_ = 	snop  }
0x3b: {  	_ = 	snop  }
0x3c: {  	p2 =	seq.s32 s10, $0x1;
	s10 =	sld [smem:$0x3FBA]  }
0x3d: {  	_ =	shalt  }
0x3e: {  	_ =	shalt  }
0x3f: {  	_ =	shalt  }
0x40: {  	_ =	shalt  }
0x41: {  	_ =	shalt  }
0x42: {  	_ =	shalt  }
0x43: {  	_ =	shalt  }
0x44: {  	_ =	shalt  }
0x45: {  	_ =	shalt  }
0x46: {  	_ =	shalt  }
0x47: {  	_ =	shalt  }
0x48: {  	_ =	shalt  }
0x49: {  	_ =	shalt  }
0x4a: {  	_ =	shalt  }
0x4b: {  	_ =	shalt  }
0x4c: {  	_ =	shalt  }
0x4d: {  	_ =	shalt  }
0x4e: {  	_ =	shalt  }
0x4f: {  	_ =	shalt  }
0x50: {  	_ =	shalt  }
0x51: {  	_ =	shalt  }
0x52: {  	_ =	shalt  }
0x53: {  	_ =	shalt  }
0x54: {  	_ =	shalt  }
0x55: {  	_ =	shalt  }
0x56: {  	_ =	shalt  }
0x57: {  	_ =	shalt  }
0x58: {  	_ =	shalt  }
0x59: {  	_ =	shalt  }
0x5a: {  	_ =	shalt  }
0x5b: {  	_ =	shalt  }
0x5c: {  	_ =	shalt  }
0x5d: {  	_ =	shalt  }
0x5e: {  	_ =	shalt  }
0x5f: {  	_ =	shalt  }
0x60: {  	_ =	shalt  }
0x61: {  	_ =	shalt  }
0x62: {  	_ =	shalt  }
0x63: {  	_ =	shalt  }
0x64: {  	_ =	shalt  }
0x65: {  	_ =	shalt  }
0x66: {  	_ =	shalt  }
0x67: {  	_ =	shalt  }
0x68: {  	_ =	shalt  }
0x69: {  	_ =	shalt  }
0x6a: {  	_ =	shalt  }
0x6b: {  	_ =	shalt  }
0x6c: {  	_ =	shalt  }
0x6d: {  	_ =	shalt  }
0x6e: {  	_ =	shalt  }
0x6f: {  	_ =	shalt  }
0x70: {  	_ =	shalt  }
0x71: {  	_ =	shalt  }
0x72: {  	_ =	shalt  }
0x73: {  	_ =	shalt  }
0x74: {  	_ =	shalt  }
0x75: {  	_ =	shalt  }
0x76: {  	_ =	shalt  }
0x77: {  	_ =	shalt  }
0x78: {  	_ =	shalt  }
0x79: {  	_ =	shalt  }
0x7a: {  	_ =	shalt  }
0x7b: {  	_ =	shalt  }
0x7c: {  	_ =	shalt  }
0x7d: {  	_ =	shalt  }
0x7e: {  	_ =	shalt  }
0x7f: {  	_ =	shalt  }
0x80: {  	_ =	shalt  }
0x81: {  	_ =	shalt  }
0x82: {  	_ =	shalt  }
0x83: {  	_ =	shalt  }
0x84: {  	_ =	shalt  }
0x85: {  	_ =	shalt  }
0x86: {  	_ =	shalt  }
0x87: {  	_ =	shalt  }
.Lfunc_end0:
.L_simem_size_0:
called_computation_lowered:
.L_overlay_start_0:
0x88: {  	s2 =	sld [smem:$0x3FD9]  }
0x89: {  	s3 =	sld [smem:$0x3FFE];
	_ =	sdelay $0x1  }
0x8a: {  	s1 =	srdreg.scid  }
0x8b: {  	s0 =	sand.u32 $0x1, s1  }
0x8c: {  	s17 =	sshll.u32 s0, $0xA;
	s2 =	sadd.s32 s3, s2  }
0x8d: {  	s2 =	sadd.s32 s2, s17  }
0x8e: {  	[smem:$0x3FC6] =	sst s2  }
0x8f: {  	_ = 	snop  }
0x90: {  	s2 =	sld [smem:$0x3FC9]  }
0x91: {  	s18 =	sld [smem:$0x3FC8];
	(tm) =	ssettm $0x1  }
0x92: {  	s4 =	sld [smem:$0x3FFB];
	_ =	sdelay $0x3  }
0x93: {  	_ =	strace s4  }
0x94: {  	s4 =	sld [smem:$0x3FFC];
	_ =	sdelay $0x3  }
0x95: {  	_ =	strace s4  }
0x96: {  	s4 =	sld [smem:$0x3FFD];
	_ =	sdelay $0x3  }
0x97: {  	_ =	strace s4  }
0x98: {  	_ =	strace $0x8FFFFFFF  }
0x99: {  	s19 =	sld [smem:$0x3FDB];
	_ =	sdelay $0x1  }
0x9a: {  	s5 =	simm.s32 $_scs_section_size  }
0x9b: {  	s6 =	simm.s32 $_size__tile_overlayer_lowered;
	s7 =	simm.s32 $_tile_overlayer_lowered  }
0x9c: {  	s22 =	simm.s32 $0x1BFF;
	s21 =	sshll.u32 s7, $0x1;
	s4 =	sadd.s32 s5, s19  }
0x9d: {  	s8 =	simm.s32 $0x0;
	s20 =	sshll.u32 s6, $0x1;
	s6 =	sadd.s32 s21, s4  }
0x9e: {  	[timem:s8], [sflag:s22] =	dma.local [hbm:s6], s20  }
0x9f: {  	_ =	swait.ge [sflag:s22], s20  }
0xa0: {  	s5 =	ssub.s32 $0x0, s20;
	[sflag:s22] =	ssyncset.done $0x0  }
0xa1: {  	[sflag:s22] =	ssyncadd.s32 s5;
	_ =	sdelay $0x1  }
0xa2: {  	s23 =	simm.s32 $0x1B8B  }
0xa3: {  	_ =	swait.ge [sflag:s23], $0x1  }
0xa4: {  	[sflag:s23] =	ssyncset.done $0x0  }
0xa5: {  	s25 =	simm.s32 $0x1B8E;
	s24 =	sld [smem:$0x3FFE];
	[sflag:s23] =	ssyncadd.s32 $0xFFFFFFFF  }
0xa6: {  	s26 =	simm.s32 $execute0_lowered;
	[smem:$0x3FD2] =	sst s25  }
0xa7: {  	s6 =	sshll.u32 s26, $0x1;
	_ =	strace $0x80000046;
	[dreg:$0x1] =	wrdreg $0xFFFFFFFF  }
0xa8: {  	s28 =	simm.s32 $_size_execute0_lowered;
	s4 =	sadd.s32 s4, s6;
	[dreg:$0x0] =	wrdreg $0x0  }
0xa9: {  	s6 =	sshll.u32 s28, $0x1;
	[dreg:$0x2] =	wrdreg s4  }
0xaa: {  	[dreg:$0x3] =	wrdreg s6  }
0xab: {  	[dreg:$0x4] =	wrdreg $0xC0  }
0xac: {  	_ =	task [dreg:s8], $0x5FFFF  }
0xad: {  	[dreg:$0x1] =	wrdreg $0xFFFFFFFF  }
0xae: {  	[dreg:$0x0] =	wrdreg $0x60  }
0xaf: {  	[dreg:$0x2] =	wrdreg s2  }
0xb0: {  	[dreg:$0x3] =	wrdreg s18  }
0xb1: {  	[dreg:$0x4] =	wrdreg s24  }
0xb2: {  	[dreg:$0x5] =	wrdreg $0x9  }
0xb3: {  	_ =	task.clear_ibuf [dreg:s8], $0x6FFFF;
	_ =	strace $0x90000046  }
0xb4: {  	s29 =	simm.s32 $0x9;
	_ =	strace $0x80000048  }
0xb5: {  	_ =	swait.ge [sflag:s29], $0x1  }
0xb6: {  	[sflag:s29] =	ssyncadd.s32 $0xFFFFFFFF  }
0xb7: {  	_ =	strace $0x90000048  }
0xb8: {  	_ =	sfence  }
0xb9: {  	s30 =	sld [smem:$0x0];
	_ =	sdelay $0x2  }
0xba: {  	s31 =	sshll.u32 s1, $0xD;
	s1 =	sshrl.u32 s1, $0x2  }
0xbb: {  	s3 =	sand.u32 $0x4000, s31;
	s1 =	sadd.s32 s1, s30  }
0xbc: {  	s0 =	sor.u32 s3, s0;
	s1 =	sshll.u32 s1, $0x11  }
0xbd: {  	s0 =	sor.u32 s1, s0  }
0xbe: {  	s0 =	sadd.s32 $0x8F2B, s0  }
0xbf: {  	[sflag:s0] =	ssyncadd.remote.s32 $0x1  }
0xc0: {  	_ =	sfence.sel $0xFFFF  }
0xc1: {  	[dreg:$0x0] =	wrdreg $0xFFFFFFFF;
	(pc) =	sbr.abs _section_cstart, $3  }
0xc2: {  	[dreg:$0x1] =	wrdreg $0xFFFFFFFF  }
0xc3: {  	_ =	task.clear_ibuf [dreg:s8], $0x2FFFF;
	_ =	strace $0x9FFFFFFF  }
0xc4: {  	(tm) =	ssettm $0x7FFFFFFF  }
0xc5: {  	_ =	shalt  }
tec
execute0_lowered:
.L_overlay_start_1:
0x0: {  	(tag) =	ssettag $0x1  }
0x1: {  	s4 =	rddreg [dreg:$0x0]  }
0x2: {  	s5 =	rddreg [dreg:$0x1]  }
0x3: {  	s0 =	rddreg [dreg:$0x2]  }
0x4: {  	s2 =	simm.s32 $0x0;
	s1 =	srdreg.scid;
	s18 =	simm.s32 $0x0  }
0x5: {  	s3 =	stileid.u32;
	s14 =	simm.s32 $0x1000;
	s15 =	simm.s32 $0x800  }
0x6: {  	s16 =	simm.s32 $0x1800;
	s19 =	simm.s32 $0x2200;
	s1 =	sand.u32 $0x1, s1  }
0x7: {  	s3 =	sshll.u32 s3, $0x6;
	s26 =	ssub.s32 $0x2, s1;
	s1 =	sshll.u32 s1, $0x5  }
0x8: {  	s20 =	simm.s32 $0x2000;
	[smem:$0x7FF] =	sst s2;
	s1 =	sor.u32 s1, s3  }
0x9: {  	_ =	strace $0x80000047;
	[dreg:$0x4] =	wrdreg s1;
	s1 =	sshll.u32 s1, $0x8  }
0xa: {  	s6 =	sadd.s32 $0x400, s0;
	s7 =	sshrl.u32 s26, $0x1;
	s29 =	sadd.s32 s4, s1  }
0xb: {  	v2 =	vimm.s32 $0x5D3E1F00;
	v3 =	vimm.s32 $0xD9BA9B7C;
	s28 =	ssub.s32 s26, s7;
	s30 =	sadd.s32 s5, s1;
	[dreg:$0x5] =	wrdreg s29  }
0xc: {  	v0 =	vlaneseq.u32;
	v4 =	vunpack.c.0.s8.s32 v2;
	v5 =	vunpack.c.0.s8.s32 v3;
	s1 =	sor.u32 $0x10, s1;
	s0 =	smax.u32 s28, $0x1;
	[dreg:$0x6] =	wrdreg s30  }
0xd: {  	v1 =	vimm.s32 $0x100;
	vm0 =	vcmask $0xF00;
	vm15 =	vcmask $0x1F10;
	s21 =	simm.s32 $0x3;
	s31 =	sadd.s32 s4, s1;
	[dreg:$0x9] =	wrdreg s0  }
0xe: {  	s22 =	simm.s32 $0x4;
	v2 =	vimm.s32 $0x300;
	v6 =	vnsel vm0, $0xD9, v4;
	v5 =	vand.u32 $0xFF, v5;
	s1 =	sadd.s32 s5, s1;
	[dreg:$0x7] =	wrdreg s31  }
0xf: {  	s23 =	simm.s32 $0x2100;
	v3 =	vor.u32 $0x400, v0;
	s2 =	simm.s32 $0x0;
	v4 =	vimm.s32 $0x63;
	v5 =	vsel vm15, v5, v6;
	[dreg:$0x8] =	wrdreg s1  }
.LBB2_1:
0x10: {  	[dreg:$0xa] =	wrdreg s2  }
0x11: {  	s0 =	rddreg [dreg:$0x5];
	s1 =	simm.s32 $0x80;
	s26 =	simm.s32 $0x400  }
0x12: {  	[tilespmem:s18], [sflag:$0x1] =	stream.strided.gather [hbm4b:s0+s1], $0x800, s26, s1, $0x38;
	[tilespmem:$0x2A00] =	vst v63  }
0x13: {  	s29 =	rddreg [dreg:$0x6]  }
0x14: {  	[tilespmem:s14], [sflag:$0x2] =	stream.strided.gather [hbm4b:s29+s1], $0x800, s26, s1, $0x38;
	[tilespmem:$0x2A00] =	vst v63  }
0x15: {  	s30 =	rddreg [dreg:$0x7]  }
0x16: {  	[tilespmem:s15], [sflag:$0x3] =	stream.strided.gather [hbm4b:s30+s1], $0x800, s26, s1, $0x38;
	[tilespmem:$0x2A00] =	vst v63  }
0x17: {  	s31 =	rddreg [dreg:$0x8];
	s28 =	simm.s32 $0x0  }
0x18: {  	[tilespmem:s16], [sflag:$0x4] =	stream.strided.gather [hbm4b:s31+s1], $0x800, s26, s1, $0x38;
	[tilespmem:$0x2A00] =	vst v63  }
.LBB2_2:
0x19: {  	s0 =	simm.s32 $0x1  }
0x1a: {  	_ =	swait.ge [sflag:s0], $0x800  }
0x1b: {  	[sflag:s0] =	ssyncset.done $0x0  }
0x1c: {  	s31 =	simm.s32 $0x2;
	[sflag:s0] =	ssyncadd.s32 $0xFFFFF800  }
0x1d: {  	_ =	swait.ge [sflag:s31], $0x800  }
0x1e: {  	[sflag:s31] =	ssyncset.done $0x0  }
0x1f: {  	s29 =	simm.s32 $0x400;
	[sflag:s31] =	ssyncadd.s32 $0xFFFFF800  }
0x20: {  	v7 =	vld [tilespmem:s29+$0xFFFFFC30]  }
0x21: {  	v8 =	vld [tilespmem:s29+$0xFFFFFD30]  }
0x22: {  	v9 =	vld [tilespmem:s29+$0xFFFFFE30]  }
0x23: {  	s0 =	simm.s32 $0x1400;
	v10 =	vld [tilespmem:s29+$0xFFFFFF30]  }
0x24: {  	v11 =	vld [tilespmem:s0+$0xFFFFFC30]  }
0x25: {  	v12 =	vld [tilespmem:s0+$0xFFFFFD30]  }
0x26: {  	v13 =	vld [tilespmem:s0+$0xFFFFFE30]  }
0x27: {  	v14 =	vld [tilespmem:s0+$0xFFFFFF30]  }
0x28: {  	v15 =	vld [tilespmem:s29+$0xFFFFFC20]  }
0x29: {  	v16 =	vld [tilespmem:s29+$0xFFFFFD20]  }
0x2a: {  	v17 =	vld [tilespmem:s29+$0xFFFFFE20]  }
0x2b: {  	v18 =	vld [tilespmem:s29+$0xFFFFFF20]  }
0x2c: {  	v19 =	vld [tilespmem:s0+$0xFFFFFC20]  }
0x2d: {  	v20 =	vld [tilespmem:s0+$0xFFFFFD20]  }
0x2e: {  	v21 =	vld [tilespmem:s0+$0xFFFFFE20]  }
0x2f: {  	v22 =	vld [tilespmem:s0+$0xFFFFFF20]  }
0x30: {  	v23 =	vld [tilespmem:s29+$0xFFFFFC10]  }
0x31: {  	v24 =	vld [tilespmem:s29+$0xFFFFFD10]  }
0x32: {  	v25 =	vld [tilespmem:s29+$0xFFFFFE10]  }
0x33: {  	v26 =	vld [tilespmem:s29+$0xFFFFFF10]  }
0x34: {  	v27 =	vld [tilespmem:s0+$0xFFFFFC10]  }
0x35: {  	v28 =	vld [tilespmem:s29+$0xFFFFFC00]  }
0x36: {  	v29 =	vld [tilespmem:s29+$0xFFFFFD00]  }
0x37: {  	v30 =	vld [tilespmem:s29+$0xFFFFFE00]  }
0x38: {  	v31 =	vld [tilespmem:s29+$0xFFFFFF00]  }
0x39: {  	v32 =	vld [tilespmem:s0+$0xFFFFFC00];
	v6 =	vmax.f32 v7, v8;
	vm11 =	vge.f32 v7, v8;
	v8 =	vmax.f32 v9, v10  }
0x3a: {  	v33 =	vld [tilespmem:s0+$0xFFFFFD00];
	vm13 =	vge.f32 v9, v10;
	v7 =	vmin.f32 v11, v12;
	vm12 =	vle.f32 v11, v12  }
0x3b: {  	v34 =	vld [tilespmem:s0+$0xFFFFFE00];
	v9 =	vmin.f32 v13, v14;
	vm14 =	vle.f32 v13, v14;
	v10 =	vmax.f32 v15, v16  }
0x3c: {  	v53 =	vld [tilespmem:s0+$0x100];
	vm8 =	vge.f32 v15, v16;
	v12 =	vmax.f32 v17, v18;
	vm7 =	vge.f32 v17, v18  }
0x3d: {  	v14 =	vld [tilespmem:s0+$0xFFFFFF00];
	v11 =	vmin.f32 v19, v20;
	vm4 =	vle.f32 v19, v20;
	v16 =	vmax.f32 v23, v24  }
0x3e: {  	v15 =	vld [tilespmem:s29+$0x0];
	v13 =	vmin.f32 v21, v22;
	vm6 =	vle.f32 v21, v22;
	vm9 =	vge.f32 v23, v24  }
0x3f: {  	v17 =	vld [tilespmem:s29+$0x100];
	v18 =	vmax.f32 v25, v26;
	v20 =	vmax.f32 v28, v29;
	vm0 =	vge.f32 v28, v29  }
0x40: {  	v19 =	vld [tilespmem:s29+$0x200];
	v21 =	vmax.f32 v30, v31;
	vm1 =	vge.f32 v30, v31;
	v23 =	vmin.f32 v32, v33  }
0x41: {  	v22 =	vld [tilespmem:s29+$0x300];
	v28 =	vsel vm0, $0x0, v1;
	vm0 =	vle.f32 v32, v33;
	v31 =	vsel vm1, $0x200, v2  }
0x42: {  	v24 =	vld [tilespmem:s0+$0x0];
	v32 =	vsel vm0, $0x0, v1;
	vm0 =	vge.f32 v20, v21;
	v20 =	vmax.f32 v20, v21  }
0x43: {  	v54 =	vld [tilespmem:s0+$0x300];
	v28 =	vsel vm0, v28, v31;
	vm0 =	vge.f32 v25, v26;
	vm1 =	vle.f32 v34, v14  }
0x44: {  	v29 =	vmin.f32 v34, v14;
	v14 =	vld [tilespmem:s0+$0x200];
	v34 =	vsel vm1, $0x200, v2;
	vm1 =	vge.f32 v15, v17  }
0x45: {  	v55 =	vld [tilespmem:s0+$0xFFFFFD10];
	v15 =	vmax.f32 v15, v17;
	v25 =	vsel vm1, $0x0, v1;
	vm1 =	vle.f32 v23, v29  }
0x46: {  	v23 =	vmin.f32 v23, v29;
	v17 =	vsel vm1, v32, v34;
	vm1 =	vge.f32 v19, v22  }
0x47: {  	v56 =	vld [tilespmem:s0+$0xFFFFFF10];
	v19 =	vmax.f32 v19, v22;
	v22 =	vsel vm1, $0x200, v2;
	vm1 =	vle.f32 v24, v53  }
0x48: {  	v57 =	vld [tilespmem:s29+$0x10];
	v24 =	vmin.f32 v24, v53;
	v58 =	vsel vm1, $0x0, v1;
	vm1 =	vge.f32 v15, v19  }
0x49: {  	v26 =	vld [tilespmem:s0+$0xFFFFFE10];
	v36 =	vmin.f32 v14, v54;
	v22 =	vsel vm1, v25, v22;
	vm1 =	vle.f32 v14, v54  }
0x4a: {  	s3 =	simm.s32 $0x0;
	v21 =	vld [tilespmem:s0+$0x10];
	v14 =	vmin.f32 v27, v55;
	v33 =	vsel vm1, $0x200, v2;
	vm1 =	vle.f32 v24, v36  }
0x4b: {  	v29 =	vld [tilespmem:s0+$0x110];
	v30 =	vsel vm1, v58, v33;
	vm1 =	vle.f32 v27, v55;
	v27 =	vor.u32 s3, v0  }
0x4c: {  	v35 =	vld [tilespmem:s29+$0x110];
	v28 =	vor.u32 v27, v28  }
0x4d: {  	v59 =	vld [tilespmem:s29+$0x310];
	(xrf1) =	vsort.ascd.msk.f32 $0xffff, v20, v28  }
0x4e: {  	v60 =	vmin.f32 v26, v56;
	v15 =	vmax.f32 v15, v19;
	v25 =	vld [tilespmem:s29+$0x210];
	v24 =	vmin.f32 v24, v36  }
0x4f: {  	v62 =	vmin.f32 v14, v60;
	v17 =	vor.u32 v27, v17;
	v20 =	vsel vm9, $0x0, v1  }
0x50: {  	vm9 =	vle.f32 v26, v56;
	v26 =	vor.u32 s3, v3;
	v28 =	vmin.f32 v21, v29;
	(xrf1) =	vsort.dscd.msk.f32 $0xffff, v23, v17  }
0x51: {  	v17 =	vmax.f32 v57, v35;
	v19 =	vor.u32 v26, v22;
	v22 =	vsel vm0, $0x200, v2  }
0x52: {  	s1 =	simm.s32 $0x10;
	v27 =	vld [tilespmem:s0+$0x210];
	v26 =	vor.u32 v26, v30;
	vm0 =	vge.f32 v57, v35;
	(xrf1) =	vsort.ascd.msk.f32 $0xffff, v15, v19;
	v15 =	vsel vm1, $0x0, v1  }
0x53: {  	v23 =	vld [tilespmem:s0+$0x310];
	v19 =	vor.u32 s1, v0;
	vm1 =	vge.f32 v25, v59;
	v61 =	vsel vm0, $0x0, v1;
	(xrf1) =	vsort.dscd.msk.f32 $0xffff, v24, v26  }
0x54: {  	vm0 =	vle.f32 v21, v29;
	v29 =	vmax.f32 v16, v18;
	v24 =	vmax.f32 v25, v59  }
0x55: {  	v26 =	vsel vm9, $0x200, v2;
	v63 =	vsel vm1, $0x200, v2;
	vm1 =	vge.f32 v16, v18  }
0x56: {  	v25 =	vor.u32 s1, v3;
	v16 =	vsel vm1, v20, v22;
	vm1 =	vle.f32 v14, v60  }
0x57: {  	v18 =	vsel vm0, $0x0, v1;
	v15 =	vsel vm1, v15, v26;
	vm1 =	vge.f32 v17, v24  }
0x58: {  	v17 =	vmax.f32 v17, v24;
	v16 =	vor.u32 v19, v16;
	v21 =	vmin.f32 v27, v23  }
0x59: {  	v14 =	vld [tilespmem:s29+$0x20];
	vm0 =	vle.f32 v27, v23;
	v20 =	vsel vm1, v61, v63;
	v15 =	vor.u32 v19, v15  }
0x5a: {  	v26 =	vld [tilespmem:s29+$0x120];
	(xrf1) =	vsort.ascd.msk.f32 $0xffff, v29, v16;
	vm1 =	vle.f32 v28, v21;
	v19 =	vsel vm0, $0x200, v2;
	v20 =	vor.u32 v25, v20  }
0x5b: {  	v27 =	vimm.f32 $-1.000000020e+30;
	(xrf1) =	vsort.dscd.msk.f32 $0xffff, v62, v15;
	v15 =	vmin.f32 v28, v21;
	v18 =	vsel vm1, v18, v19;
	v22, v23, _ =	vpop (xrf1)  }
0x5c: {  	(xrf1) =	vsort.ascd.msk.f32 $0xffff, v17, v20;
	v18 =	vor.u32 v25, v18;
	vm0 =	vge.f32 v27, v22  }
0x5d: {  	v16 =	vld [tilespmem:s29+$0x220];
	(xrf1) =	vsort.dscd.msk.f32 $0xffff, v15, v18;
	v15 =	vsel vm0, v27, v22  }
0x5e: {  	v21 =	vimm.s32 $0x0;
	v19 =	vimm.f32 $1.000000020e+30;
	v17 =	vld [tilespmem:s29+$0x320];
	v24, v25, _ =	vpop (xrf1)  }
0x5f: {  	v20 =	vmax.f32 v14, v26;
	v18 =	vld [tilespmem:s0+$0x20];
	v23 =	vsel vm0, v21, v23;
	vm0 =	vle.f32 v19, v24  }
0x60: {  	v22 =	vld [tilespmem:s0+$0x120];
	v28, v29, _ =	vpop (xrf1);
	v24 =	vsel vm0, v19, v24;
	v25 =	vsel vm0, v21, v25;
	(xrf1) =	vsort.dscd.msk.f32 $0xffff, v15, v23  }
0x61: {  	s8 =	simm.s32 $0x0;
	vm9 =	vge.f32 v14, v26;
	v23 =	vld [tilespmem:s0+$0x220];
	vm0 =	vge.f32 v27, v28;
	(xrf1) =	vsort.ascd.msk.f32 $0xffff, v24, v25;
	v26, v15, _ =	vpop (xrf1)  }
0x62: {  	s9 =	simm.s32 $0x440;
	s7 =	simm.s32 $0x1400;
	s1 =	simm.s32 $0x20;
	v24 =	vld [tilespmem:s0+$0x320];
	v25 =	vsel vm0, v27, v28;
	v27 =	vsel vm0, v21, v29;
	vm0 =	vle.f32 v19, v26  }
.LBB2_3:
0x63: {  	v19 =	vsel vm0, v19, v26  }
0x64: {  	v21 =	vsel vm0, v21, v15;
	v26 =	vor.u32 s1, v0;
	(xrf1) =	vsort.dscd.msk.f32 $0xffff, v25, v27;
	v28 =	vmax.f32 v10, v12  }
0x65: {  	v27 =	vor.u32 s1, v3;
	v29 =	vmin.f32 v11, v13;
	vm5 =	vge.f32 v10, v12;
	(xrf1) =	vsort.ascd.msk.f32 $0xffff, v19, v21  }
0x66: {  	v12 =	vsel vm4, $0x0, v1;
	v31 =	vsel vm6, $0x200, v2;
	vm6 =	vle.f32 v11, v13  }
0x67: {  	v11 =	vsel vm9, $0x0, v1;
	v53 =	vmin.f32 v7, v9;
	v12 =	vsel vm6, v12, v31  }
0x68: {  	v14 =	vld [tilespmem:s9+$0xFFFFFC30];
	v25 =	vmax.f32 v16, v17;
	vm1 =	vge.f32 v16, v17;
	v21 =	vmin.f32 v18, v22  }
0x69: {  	v15 =	vld [tilespmem:s9+$0xFFFFFD30];
	vm10 =	vle.f32 v18, v22;
	v22 =	vmin.f32 v23, v24;
	vm0 =	vle.f32 v23, v24  }
0x6a: {  	v32 =	vld [tilespmem:s29+$0x30];
	v23 =	vsel vm8, $0x0, v1;
	v24 =	vsel vm7, $0x200, v2;
	v30 =	vmax.f32 v20, v25;
	v33, v34, _ =	vpop (xrf1)  }
0x6b: {  	v13 =	vsel vm1, $0x200, v2;
	v23 =	vsel vm5, v23, v24;
	vm1 =	vge.f32 v20, v25;
	v24 =	vld [tilespmem:s29+$0x130];
	v25, v35, _ =	vpop (xrf1)  }
0x6c: {  	v51 =	vld [tilespmem:s9+$0xFFFFFD20];
	v12 =	vor.u32 v26, v12;
	v20 =	vsel vm10, $0x0, v1;
	v39 =	vor.u32 v26, v23;
	v48, v36, _ =	vpop (xrf1)  }
0x6d: {  	v60 =	vld [tilespmem:s9+$0xFFFFFC10];
	vm5 =	vle.f32 v21, v22;
	v11 =	vsel vm1, v11, v13;
	v13 =	vsel vm0, $0x200, v2;
	v37, v38, _ =	vpop (xrf1);
	(xrf1) =	vsort.ascd.msk.f32 $0xffff, v28, v39  }
0x6e: {  	v40 =	vld [tilespmem:s9+$0xFFFFFD10];
	v11 =	vor.u32 v27, v11;
	v13 =	vsel vm5, v20, v13;
	(xrf1) =	vsort.dscd.msk.f32 $0xffff, v29, v12  }
0x6f: {  	v42 =	vld [tilespmem:s9+$0xFFFFFE10];
	v13 =	vor.u32 v27, v13;
	v12 =	vmin.f32 v21, v22;
	v22, v23, _ =	vpop (xrf1);
	(xrf1) =	vsort.ascd.msk.f32 $0xffff, v30, v11  }
0x70: {  	v26 =	vld [tilespmem:s29+$0x230];
	vm0 =	vge.f32 v22, v33;
	v11 =	vmax.f32 v32, v24;
	v28, v29, _ =	vpop (xrf1);
	(xrf1) =	vsort.dscd.msk.f32 $0xffff, v12, v13  }
0x71: {  	v20 =	vld [tilespmem:s29+$0x330];
	v12 =	vsel vm0, v22, v33;
	v49 =	vsel vm0, v23, v34;
	vm0 =	vle.f32 v28, v25  }
0x72: {  	v27 =	vld [tilespmem:s7+$0x130];
	v23 =	vsel vm0, v28, v25;
	v25 =	vsel vm0, v29, v35;
	v29, v50, _ =	vpop (xrf1);
	(xrf1) =	vsort.dscd.msk.f32 $0xffff, v12, v49  }
0x73: {  	v21 =	vld [tilespmem:s7+$0x30];
	vm0 =	vge.f32 v32, v24;
	vm1 =	vge.f32 v29, v48;
	v13, v24, _ =	vpop (xrf1);
	(xrf1) =	vsort.ascd.msk.f32 $0xffff, v23, v25  }
0x74: {  	v45 =	vld [tilespmem:s9+$0x110];
	v25 =	vsel vm1, v29, v48;
	v29 =	vsel vm1, v50, v36;
	vm1 =	vle.f32 v13, v37  }
0x75: {  	v22 =	vld [tilespmem:s7+$0x230];
	v13 =	vsel vm1, v13, v37;
	v24 =	vsel vm1, v24, v38;
	(xrf1) =	vsort.dscd.msk.f32 $0xffff, v25, v29  }
0x76: {  	s0 =	sadd.s32 $0x40, s0;
	s30 =	sadd.s32 $0x30, s3;
	v54 =	vsel vm13, $0x200, v2;
	vm3 =	vge.f32 v6, v8;
	vm5 =	vge.f32 v26, v20;
	v28 =	vld [tilespmem:s7+$0x330];
	(xrf1) =	vsort.ascd.msk.f32 $0xffff, v13, v24  }
0x77: {  	vm2 =	vle.f32 v7, v9;
	v19 =	vld [tilespmem:s0+$0xFFFFFD30];
	v52 =	vor.u32 s30, v0;
	v9 =	vsel vm5, $0x200, v2  }
0x78: {  	v10 =	vld [tilespmem:s0+$0xFFFFFE30];
	v7 =	vsel vm0, $0x0, v1;
	vm6 =	vle.f32 v21, v27;
	v29 =	vmax.f32 v26, v20  }
0x79: {  	v56 =	vld [tilespmem:s0+$0xFFFFFE20];
	v20 =	vor.u32 s30, v3;
	v24 =	vmin.f32 v21, v27;
	v27 =	vmax.f32 v6, v8  }
0x7a: {  	v57 =	vld [tilespmem:s0+$0xFFFFFF20];
	v55 =	vmax.f32 v11, v29;
	v6 =	vsel vm12, $0x0, v1;
	v8 =	vsel vm14, $0x200, v2  }
0x7b: {  	v63 =	vld [tilespmem:s0+$0xFFFFFE10];
	v21 =	vmin.f32 v22, v28;
	vm1 =	vle.f32 v22, v28;
	v28 =	vsel vm11, $0x0, v1;
	v58, v59, _ =	vpop (xrf1)  }
0x7c: {  	v16 =	vld [tilespmem:s9+$0xFFFFFE30];
	vm0 =	vge.f32 v11, v29;
	v11 =	vsel vm6, $0x0, v1;
	v28 =	vsel vm3, v28, v54;
	v29, v61, _ =	vpop (xrf1)  }
0x7d: {  	v17 =	vld [tilespmem:s9+$0xFFFFFF30];
	v6 =	vsel vm2, v6, v8;
	v7 =	vsel vm0, v7, v9;
	v28 =	vor.u32 v52, v28;
	v8, v41, _ =	vpop (xrf1)  }
0x7e: {  	v18 =	vld [tilespmem:s0+$0xFFFFFC30];
	vm2 =	vle.f32 v24, v21;
	v6 =	vor.u32 v52, v6;
	v9 =	vsel vm1, $0x200, v2;
	v62, v43, _ =	vpop (xrf1);
	(xrf1) =	vsort.ascd.msk.f32 $0xffff, v27, v28  }
0x7f: {  	v12 =	vld [tilespmem:s0+$0xFFFFFF30];
	v44 =	vor.u32 v20, v7;
	v9 =	vsel vm2, v11, v9;
	(xrf1) =	vsort.dscd.msk.f32 $0xffff, v53, v6  }
0x80: {  	v23 =	vld [tilespmem:s9+$0xFFFFFC20];
	v9 =	vor.u32 v20, v9;
	v6 =	vmin.f32 v24, v21;
	v11, v20, _ =	vpop (xrf1);
	(xrf1) =	vsort.ascd.msk.f32 $0xffff, v55, v44  }
0x81: {  	v48 =	vld [tilespmem:s0+$0xFFFFFF00];
	vm0 =	vge.f32 v11, v58;
	v7, v24, _ =	vpop (xrf1);
	(xrf1) =	vsort.dscd.msk.f32 $0xffff, v6, v9  }
0x82: {  	v25 =	vld [tilespmem:s9+$0xFFFFFE20];
	v37 =	vsel vm0, v11, v58;
	v38 =	vsel vm0, v20, v59;
	vm0 =	vle.f32 v7, v29  }
0x83: {  	v13 =	vld [tilespmem:s9+$0xFFFFFF20];
	v7 =	vsel vm0, v7, v29;
	v11 =	vsel vm0, v24, v61;
	v24, v29, _ =	vpop (xrf1);
	(xrf1) =	vsort.dscd.msk.f32 $0xffff, v37, v38  }
0x84: {  	v27 =	vld [tilespmem:s9+$0xFFFFFF10];
	vm0 =	vge.f32 v24, v8;
	v6, v9, _ =	vpop (xrf1);
	(xrf1) =	vsort.ascd.msk.f32 $0xffff, v7, v11  }
0x85: {  	v28 =	vld [tilespmem:s0+$0xFFFFFC10];
	v7 =	vsel vm0, v24, v8;
	v8 =	vsel vm0, v29, v41;
	vm0 =	vle.f32 v6, v62  }
0x86: {  	vm9 =	vge.f32 v60, v40;
	vm6 =	vle.f32 v56, v57;
	v21 =	vld [tilespmem:s0+$0xFFFFFD10];
	v11 =	vsel vm0, v6, v62  }
0x87: {  	v26 =	vld [tilespmem:s0+$0xFFFFFC20];
	v9 =	vsel vm0, v9, v43;
	(xrf1) =	vsort.dscd.msk.f32 $0xffff, v7, v8;
	vm0 =	vge.f32 v14, v15;
	v7 =	vimm.s32 $0x0  }
0x88: {  	v22 =	vld [tilespmem:s0+$0xFFFFFD20];
	vm8 =	vge.f32 v23, v51;
	vm7 =	vge.f32 v25, v13;
	v7 =	vsel vm0, $0xFFFFFFFF, v7  }
0x89: {  	v44 =	vld [tilespmem:s9+$0x10];
	vm10 =	vge.f32 v42, v27;
	vm0 =	vge.f32 v16, v17;
	[tilespmem:$0x1FFB0] =	vst v7;
	v7 =	vimm.s32 $0x0  }
0x8a: {  	v20 =	vld [tilespmem:s0+$0xFFFFFF10];
	(xrf1) =	vsort.ascd.msk.f32 $0xffff, v11, v9;
	v9 =	vimm.s32 $0x0;
	v7 =	vsel vm0, $0xFFFFFFFF, v7;
	vm0 =	vle.f32 v18, v19  }
0x8b: {  	v24 =	vld [tilespmem:s9+$0xFFFFFC00];
	vm11 =	vle.f32 v28, v21;
	v6 =	vmax.f32 v14, v15;
	v9 =	vsel vm0, $0xFFFFFFFF, v9  }
0x8c: {  	v29 =	vld [tilespmem:s9+$0xFFFFFD00];
	vm0 =	vle.f32 v10, v12;
	[tilespmem:$0x1FFC0] =	vst v9;
	v9 =	vmin.f32 v10, v12;
	v10 =	vimm.s32 $0x0  }
0x8d: {  	v8 =	vmax.f32 v16, v17;
	[tilespmem:$0x1FFD0] =	vst v7;
	v7 =	vmin.f32 v18, v19;
	v19 =	vld [tilespmem:s0+$0xFFFFFC00];
	v10 =	vsel vm0, $0xFFFFFFFF, v10  }
0x8e: {  	v14 =	vmax.f32 v60, v40;
	v15 =	vmax.f32 v42, v27;
	[tilespmem:$0x1FFE0] =	vst v10;
	v10 =	vmax.f32 v23, v51;
	v23 =	vld [tilespmem:s0+$0xFFFFFD00]  }
0x8f: {  	v11 =	vmin.f32 v26, v22;
	v12 =	vmax.f32 v25, v13;
	vm0 =	vle.f32 v26, v22;
	v22 =	vld [tilespmem:s0+$0xFFFFFE00];
	v25, v26, _ =	vpop (xrf1)  }
0x90: {  	v46 =	vld [tilespmem:s9+$0xFFFFFE00];
	vm12 =	vge.f32 v44, v45;
	v16 =	vmin.f32 v28, v21;
	vm13 =	vle.f32 v63, v20;
	v27, v49, _ =	vpop (xrf1)  }
0x91: {  	v47 =	vld [tilespmem:s9+$0xFFFFFF00];
	v17 =	vmax.f32 v44, v45;
	v18 =	vmin.f32 v63, v20;
	v13 =	vimm.s32 $0x0;
	v21, v28, _ =	vpop (xrf1)  }
0x92: {  	v52 =	vmax.f32 v24, v29;
	vm15 =	vge.f32 v24, v29;
	v13 =	vsel vm0, $0xFFFFFFFF, v13;
	v20, v32, _ =	vpop (xrf1)  }
0x93: {  	v58 =	vld [tilespmem:s0+$0x100];
	[tilespmem:$0x1FFF0] =	vst v13;
	v13 =	vmin.f32 v56, v57;
	v53 =	vmin.f32 v19, v23;
	vm14 =	vle.f32 v19, v23;
	v23, v54, _ =	vpop (xrf1)  }
0x94: {  	v55 =	vmin.f32 v22, v48;
	vm1 =	vle.f32 v22, v48;
	v22 =	vld [tilespmem:s0+$0x0];
	vm2 =	vge.f32 v23, v25;
	v57, v56, _ =	vpop (xrf1)  }
0x95: {  	v29 =	vld [tilespmem:s9+$0x200];
	v23 =	vsel vm2, v23, v25;
	v25 =	vsel vm2, v54, v26;
	vm2 =	vle.f32 v57, v27  }
0x96: {  	v24 =	vmax.f32 v46, v47;
	vm0 =	vge.f32 v46, v47;
	v19 =	vld [tilespmem:s9+$0x300];
	v60, v61, _ =	vpop (xrf1);
	v27 =	vsel vm2, v57, v27  }
0x97: {  	v26 =	vld [tilespmem:s0+$0x200];
	v59 =	vsel vm2, v56, v49;
	(xrf1) =	vsort.dscd.msk.f32 $0xffff, v23, v25;
	vm2 =	vge.f32 v60, v21  }
0x98: {  	v46 =	vsel vm1, $0x200, v2;
	v44 =	vmin.f32 v53, v55;
	v25 =	vld [tilespmem:s0+$0x300];
	v63, v62, _ =	vpop (xrf1);
	(xrf1) =	vsort.ascd.msk.f32 $0xffff, v27, v59;
	v21 =	vsel vm2, v60, v21  }
0x99: {  	s3 =	sadd.s32 $0x40, s3;
	v27 =	vsel vm2, v61, v28;
	vm2 =	vle.f32 v63, v20;
	vm4 =	vle.f32 v22, v58  }
0x9a: {  	v28 =	vor.u32 s3, v0;
	v20 =	vsel vm2, v63, v20;
	v43 =	vsel vm2, v62, v32;
	(xrf1) =	vsort.dscd.msk.f32 $0xffff, v21, v27  }
0x9b: {  	v21 =	vmax.f32 v29, v19;
	vm3 =	vge.f32 v29, v19;
	v19 =	vmin.f32 v22, v58  }
0x9c: {  	v50 =	vld [tilespmem:s9+$0x0];
	v29 =	vsel vm0, $0x200, v2;
	vm0 =	vge.f32 v52, v24;
	(xrf1) =	vsort.ascd.msk.f32 $0xffff, v20, v43;
	v20 =	vmax.f32 v52, v24  }
0x9d: {  	v51 =	vld [tilespmem:s9+$0x100];
	v22 =	vmin.f32 v26, v25;
	vm5 =	vle.f32 v26, v25;
	v26 =	vsel vm15, $0x0, v1  }
0x9e: {  	v24 =	vsel vm14, $0x0, v1;
	v26 =	vsel vm0, v26, v29;
	vm0 =	vle.f32 v53, v55  }
0x9f: {  	v53 =	vmin.f32 v16, v18;
	v26 =	vor.u32 v28, v26;
	v24 =	vsel vm0, v24, v46  }
0xa0: {  	v24 =	vor.u32 v28, v24;
	v28 =	vsel vm4, $0x0, v1;
	vm4 =	vle.f32 v16, v18;
	v18 =	vld [tilespmem:$0x1FFC0]  }
0xa1: {  	v45 =	vld [tilespmem:s9+$0x310]  }
0xa2: {  	v47 =	vld [tilespmem:s0+$0x10];
	v23 =	vmax.f32 v50, v51;
	vm2 =	vge.f32 v50, v51;
	v27 =	vor.u32 s3, v3  }
0xa3: {  	v49 =	vsel vm3, $0x200, v2;
	v52 =	vmax.f32 v14, v15;
	vm3 =	vge.f32 v14, v15;
	v15 =	vld [tilespmem:$0x1FFB0]  }
0xa4: {  	v48 =	vld [tilespmem:s0+$0x110];
	v14 =	vsel vm11, $0x0, v1;
	v29 =	vsel vm2, $0x0, v1;
	vm0 =	vge.f32 v23, v21  }
0xa5: {  	v21 =	vmax.f32 v23, v21;
	(xrf1) =	vsort.ascd.msk.f32 $0xffff, v20, v26;
	v16 =	vsel vm12, $0x0, v1;
	vm12 =	vnez.u8 v18;
	v18 =	vld [tilespmem:$0x1FFD0]  }
0xa6: {  	v50 =	vld [tilespmem:s0+$0x210];
	v20 =	vsel vm0, v29, v49;
	v29 =	vsel vm5, $0x200, v2;
	vm0 =	vle.f32 v19, v22;
	(xrf1) =	vsort.dscd.msk.f32 $0xffff, v44, v24  }
0xa7: {  	v51 =	vld [tilespmem:s0+$0x310];
	v19 =	vmin.f32 v19, v22;
	v20 =	vor.u32 v27, v20;
	v23 =	vsel vm0, v28, v29  }
0xa8: {  	v25 =	vld [tilespmem:s9+$0x210];
	vm11 =	vnez.u8 v15;
	v15 =	vsel vm13, $0x200, v2;
	v22 =	vor.u32 v27, v23;
	(xrf1) =	vsort.ascd.msk.f32 $0xffff, v21, v20  }
0xa9: {  	v14 =	vsel vm4, v14, v15;
	v15 =	vld [tilespmem:$0x1FFF0];
	v24, v26, _ =	vpop (xrf1);
	(xrf1) =	vsort.dscd.msk.f32 $0xffff, v19, v22  }
0xaa: {  	v56 =	vsel vm9, $0x0, v1;
	v57 =	vsel vm10, $0x200, v2;
	vm13 =	vnez.u8 v18;
	v18 =	vld [tilespmem:$0x1FFE0]  }
0xab: {  	s31 =	sadd.s32 $0x10, s3;
	vm1 =	vle.f32 v47, v48;
	v34 =	vsel vm3, v56, v57  }
0xac: {  	vm2 =	vle.f32 v50, v51;
	v29 =	vmin.f32 v50, v51;
	v23 =	vor.u32 s31, v0  }
0xad: {  	v20 =	vmax.f32 v25, v45;
	vm0 =	vge.f32 v25, v45;
	v25 =	vor.u32 s31, v3  }
0xae: {  	v59 =	vld [tilespmem:s9+$0x20];
	v58 =	vmax.f32 v17, v20;
	v14 =	vor.u32 v23, v14;
	v22 =	vmin.f32 v47, v48  }
0xaf: {  	v60 =	vld [tilespmem:s9+$0x120];
	vm4 =	vnez.u8 v15;
	v27, v28, _ =	vpop (xrf1);
	vm14 =	vnez.u8 v18;
	v18 =	vsel vm0, $0x200, v2  }
0xb0: {  	v55, v54, _ =	vpop (xrf1);
	vm0 =	vge.f32 v17, v20;
	v17 =	vsel vm1, $0x0, v1;
	v20 =	vor.u32 v23, v34  }
0xb1: {  	v19, v21, _ =	vpop (xrf1);
	vm1 =	vle.f32 v22, v29;
	v15 =	vsel vm0, v16, v18;
	v18 =	vsel vm2, $0x200, v2;
	(xrf1) =	vsort.ascd.msk.f32 $0xffff, v52, v20  }
0xb2: {  	s8 =	sadd.s32 $0x4, s8;
	v61 =	vor.u32 v25, v15;
	v18 =	vsel vm1, v17, v18;
	(xrf1) =	vsort.dscd.msk.f32 $0xffff, v53, v14  }
0xb3: {  	p0 =	slt.u32 s8, $0xC;
	v16 =	vld [tilespmem:s9+$0x220];
	v14 =	vmin.f32 v22, v29;
	v23 =	vor.u32 v25, v18;
	v25, v29, _ =	vpop (xrf1);
	(xrf1) =	vsort.ascd.msk.f32 $0xffff, v58, v61  }
.Ltmp0:
0xb4: {  	vm9 =	vge.f32 v59, v60;
	v17 =	vld [tilespmem:s9+$0x320];
	vm0 =	vge.f32 v24, v25;
	v15, v62, _ =	vpop (xrf1);
	(xrf1) =	vsort.dscd.msk.f32 $0xffff, v14, v23;
	(pc) =	sbr.rel @p0 .LBB2_3-.Ltmp0, $4  }
0xb5: {  	v22 =	vld [tilespmem:s0+$0x120];
	v63 =	vsel vm0, v24, v25;
	v25 =	vsel vm0, v26, v29;
	vm0 =	vle.f32 v27, v15  }
0xb6: {  	v18 =	vld [tilespmem:s0+$0x20];
	v29 =	vsel vm0, v27, v15;
	v28 =	vsel vm0, v28, v62;
	(xrf1) =	vsort.dscd.msk.f32 $0xffff, v63, v25;
	v14, v27, _ =	vpop (xrf1)  }
0xb7: {  	s1 =	sadd.s32 $0x20, s3;
	v20 =	vmax.f32 v59, v60;
	v23 =	vld [tilespmem:s0+$0x220];
	vm0 =	vge.f32 v55, v14;
	(xrf1) =	vsort.ascd.msk.f32 $0xffff, v29, v28;
	v26, v15, _ =	vpop (xrf1)  }
0xb8: {  	s29 =	smov.u32 s9;
	s7 =	smov.u32 s0;
	s9 =	sadd.s32 $0x40, s9;
	v24 =	vld [tilespmem:s0+$0x320];
	v25 =	vsel vm0, v55, v14;
	v27 =	vsel vm0, v54, v27;
	vm0 =	vle.f32 v19, v26  }
0xb9: {  	v14 =	vsel vm0, v19, v26;
	v15 =	vsel vm0, v21, v15;
	v63 =	vor.u32 s1, v0;
	(xrf1) =	vsort.dscd.msk.f32 $0xffff, v25, v27  }
0xba: {  	v31 =	vmax.f32 v16, v17;
	vm10 =	vge.f32 v16, v17;
	v32 =	vor.u32 s1, v3  }
0xbb: {  	v35 =	vmax.f32 v10, v12;
	v36 =	vmin.f32 v11, v13;
	v37 =	vsel vm8, $0x0, v1  }
0xbc: {  	v38 =	vsel vm7, $0x200, v2;
	vm3 =	vge.f32 v10, v12;
	v10 =	vsel vm4, $0x0, v1  }
0xbd: {  	v40 =	vsel vm6, $0x200, v2;
	vm15 =	vle.f32 v11, v13;
	v11 =	vsel vm9, $0x0, v1;
	(xrf1) =	vsort.ascd.msk.f32 $0xffff, v14, v15  }
0xbe: {  	v33 =	vmin.f32 v18, v22;
	vm1 =	vle.f32 v18, v22;
	v22 =	vsel vm3, v37, v38  }
0xbf: {  	v39 =	vmax.f32 v20, v31;
	v10 =	vsel vm15, v10, v40;
	v22 =	vor.u32 v63, v22  }
0xc0: {  	v41 =	vsel vm10, $0x200, v2;
	vm6 =	vge.f32 v20, v31;
	v10 =	vor.u32 v63, v10;
	v43, v44, _ =	vpop (xrf1)  }
0xc1: {  	v11 =	vsel vm6, v11, v41;
	v34 =	vmin.f32 v23, v24;
	vm2 =	vle.f32 v23, v24;
	v47, v28, _ =	vpop (xrf1)  }
0xc2: {  	v42 =	vld [tilespmem:s29+$0x30];
	v45 =	vsel vm1, $0x0, v1;
	vm7 =	vle.f32 v33, v34;
	v49 =	vsel vm2, $0x200, v2;
	(xrf1) =	vsort.ascd.msk.f32 $0xffff, v35, v22;
	v48, v29, _ =	vpop (xrf1)  }
0xc3: {  	v46 =	vld [tilespmem:s29+$0x130];
	v11 =	vor.u32 v32, v11;
	v13 =	vsel vm7, v45, v49;
	(xrf1) =	vsort.dscd.msk.f32 $0xffff, v36, v10;
	v17, v22, _ =	vpop (xrf1)  }
0xc4: {  	v50 =	vld [tilespmem:s29+$0x230];
	v13 =	vor.u32 v32, v13;
	v10 =	vmin.f32 v33, v34;
	v53, v54, _ =	vpop (xrf1);
	(xrf1) =	vsort.ascd.msk.f32 $0xffff, v39, v11  }
0xc5: {  	v51 =	vld [tilespmem:s29+$0x330];
	vm5 =	vle.f32 v7, v9;
	vm8 =	vge.f32 v53, v43;
	v56, v30, _ =	vpop (xrf1);
	(xrf1) =	vsort.dscd.msk.f32 $0xffff, v10, v13  }
0xc6: {  	v10 =	vsel vm8, v53, v43;
	v57 =	vsel vm8, v54, v44;
	vm9 =	vle.f32 v56, v47  }
0xc7: {  	s0 =	sadd.s32 $0x30, s3;
	v59 =	vsel vm9, v56, v47;
	v60 =	vsel vm9, v30, v28;
	v62, v63, _ =	vpop (xrf1);
	(xrf1) =	vsort.dscd.msk.f32 $0xffff, v10, v57  }
0xc8: {  	v25 =	vor.u32 s0, v0;
	v27 =	vor.u32 s0, v3;
	vm10 =	vge.f32 v62, v48;
	(xrf1) =	vsort.ascd.msk.f32 $0xffff, v59, v60  }
0xc9: {  	v52 =	vld [tilespmem:s7+$0x30];
	vm15 =	vge.f32 v42, v46;
	v12 =	vsel vm10, v62, v48;
	v23 =	vsel vm10, v63, v29  }
0xca: {  	v55 =	vld [tilespmem:s7+$0x130];
	v31 =	vmin.f32 v7, v9;
	v26 =	vmax.f32 v50, v51;
	v7 =	vsel vm15, $0x0, v1;
	(xrf1) =	vsort.dscd.msk.f32 $0xffff, v12, v23  }
0xcb: {  	v32 =	vsel vm11, $0x0, v1;
	vm11 =	vge.f32 v6, v8;
	v33 =	vsel vm13, $0x200, v2;
	v10, v13, _ =	vpop (xrf1)  }
0xcc: {  	v58 =	vld [tilespmem:s7+$0x230];
	v15 =	vsel vm11, v32, v33;
	v11 =	vmax.f32 v42, v46;
	vm7 =	vle.f32 v10, v17  }
0xcd: {  	v61 =	vld [tilespmem:s7+$0x330];
	v15 =	vor.u32 v25, v15;
	v34 =	vmax.f32 v11, v26;
	v13 =	vsel vm7, v13, v22  }
0xce: {  	vm13 =	vge.f32 v11, v26;
	vm8 =	vge.f32 v50, v51;
	v10 =	vsel vm7, v10, v17  }
0xcf: {  	v28 =	vmin.f32 v52, v55;
	vm9 =	vle.f32 v52, v55;
	v30 =	vmax.f32 v6, v8  }
0xd0: {  	v6 =	vsel vm12, $0x0, v1;
	v8 =	vsel vm14, $0x200, v2;
	v9 =	vsel vm8, $0x200, v2  }
0xd1: {  	v11 =	vsel vm9, $0x0, v1;
	v6 =	vsel vm5, v6, v8;
	v7 =	vsel vm13, v7, v9;
	(xrf1) =	vsort.ascd.msk.f32 $0xffff, v10, v13;
	v10, v13, _ =	vpop (xrf1)  }
0xd2: {  	v29 =	vmin.f32 v58, v61;
	vm10 =	vle.f32 v58, v61;
	v6 =	vor.u32 v25, v6;
	v36, v35, _ =	vpop (xrf1)  }
0xd3: {  	v7 =	vor.u32 v27, v7;
	vm14 =	vle.f32 v28, v29;
	v9 =	vsel vm10, $0x200, v2;
	(xrf1) =	vsort.ascd.msk.f32 $0xffff, v30, v15;
	v8, v37, _ =	vpop (xrf1)  }
0xd4: {  	v9 =	vsel vm14, v11, v9;
	(xrf1) =	vsort.dscd.msk.f32 $0xffff, v31, v6;
	v39, v38, _ =	vpop (xrf1)  }
0xd5: {  	v9 =	vor.u32 v27, v9;
	v6 =	vmin.f32 v28, v29;
	(xrf1) =	vsort.ascd.msk.f32 $0xffff, v34, v7;
	v11, v40, _ =	vpop (xrf1)  }
0xd6: {  	(xrf1) =	vsort.dscd.msk.f32 $0xffff, v6, v9;
	vm15 =	vge.f32 v11, v10;
	v7, v41, _ =	vpop (xrf1)  }
0xd7: {  	v6 =	vsel vm15, v11, v10;
	v9 =	vsel vm15, v40, v13;
	vm4 =	vle.f32 v7, v36  }
0xd8: {  	v7 =	vsel vm4, v7, v36;
	v10 =	vsel vm4, v41, v35;
	v11, v42, _ =	vpop (xrf1);
	(xrf1) =	vsort.dscd.msk.f32 $0xffff, v6, v9  }
0xd9: {  	vm5 =	vge.f32 v11, v8;
	(xrf1) =	vsort.ascd.msk.f32 $0xffff, v7, v10  }
0xda: {  	v6 =	vsel vm5, v11, v8;
	v7 =	vsel vm5, v42, v37  }
0xdb: {  	(xrf1) =	vsort.dscd.msk.f32 $0xffff, v6, v7;
	_ =	sdelay $0x5  }
0xdc: {  	v6, v7, _ =	vpop (xrf1)  }
0xdd: {  	v8, v9, _ =	vpop (xrf1)  }
0xde: {  	v10, v11, _ =	vpop (xrf1)  }
0xdf: {  	v44, v43, _ =	vpop (xrf1)  }
0xe0: {  	v45, v46, _ =	vpop (xrf1)  }
0xe1: {  	vm6 =	vle.f32 v6, v39;
	v47, v48, _ =	vpop (xrf1)  }
0xe2: {  	v6 =	vsel vm6, v6, v39;
	v7 =	vsel vm6, v7, v38;
	v49, v50, _ =	vpop (xrf1)  }
0xe3: {  	(xrf1) =	vsort.ascd.msk.f32 $0xffff, v6, v7;
	vm7 =	vge.f32 v47, v8;
	vm8 =	vle.f32 v49, v10  }
0xe4: {  	v6 =	vsel vm7, v47, v8;
	v7 =	vsel vm7, v48, v9;
	v8 =	vsel vm8, v49, v10;
	v9, v10, _ =	vpop (xrf1)  }
0xe5: {  	v11 =	vsel vm8, v50, v11;
	(xrf1) =	vsort.dscd.msk.f32 $0xffff, v6, v7;
	vm9 =	vge.f32 v9, v44  }
0xe6: {  	(xrf1) =	vsort.ascd.msk.f32 $0xffff, v8, v11;
	v6 =	vsel vm9, v9, v44;
	v7 =	vsel vm9, v10, v43  }
0xe7: {  	(xrf1) =	vsort.dscd.msk.f32 $0xffff, v6, v7;
	_ =	sdelay $0xa  }
0xe8: {  	v6, v7, _ =	vpop (xrf1)  }
0xe9: {  	v10 =	vmul.u32 $0xFFFFFFFF, v0;
	v8, v9, _ =	vpop (xrf1)  }
0xea: {  	vm10 =	vle.f32 v6, v45;
	v11, v51, _ =	vpop (xrf1)  }
0xeb: {  	v52 =	vsel vm10, v6, v45;
	v6 =	vadd.s32 $0xF, v10;
	v54, v53, _ =	vpop (xrf1)  }
0xec: {  	v7 =	vsel vm10, v7, v46;
	v10 =	vperm.xlane v54, v6;
	v55 =	vperm.xlane v53, v6  }
0xed: {  	(xrf1) =	vsort.ascd.msk.f32 $0xffff, v52, v7  }
0xee: {  	(xrf1) =	vsort.ascd.msk.f32 $0xffff, v10, v55;
	_ =	sdelay $0xc  }
0xef: {  	v7, v10, _ =	vpop (xrf1)  }
0xf0: {  	v56, v14, _ =	vpop (xrf1)  }
0xf1: {  	v7 =	vperm.xlane v7, v6;
	vm11 =	vge.f32 v8, v56  }
0xf2: {  	v10 =	vperm.xlane v10, v6;
	v8 =	vsel vm11, v8, v56;
	v9 =	vsel vm11, v9, v14  }
0xf3: {  	(xrf1) =	vsort.dscd.msk.f32 $0xffff, v8, v9  }
0xf4: {  	(xrf1) =	vsort.dscd.msk.f32 $0xffff, v7, v10;
	_ =	sdelay $0xc  }
0xf5: {  	_, v7, _ =	vpop (xrf1)  }
0xf6: {  	v8, v9, _ =	vpop (xrf1);
	v7 =	vand.u32 $0xFFFFFCFF, v7  }
0xf7: {  	v57 =	vshrl.u32 v0, $0x3;
	vm12 =	vle.f32 v11, v8;
	v10 =	vperm.xlane v7, v6  }
0xf8: {  	v8 =	vsel vm12, v11, v8;
	v11 =	vmul.u32 $0x100, v57  }
0xf9: {  	vm13 =	vmmov $0xff;
	v9 =	vsel vm12, v51, v9;
	v58 =	vadd.s32 $0x100, v10  }
0xfa: {  	(xrf1) =	vsort.ascd.msk.f32 $0xffff, v8, v9;
	v9 =	vsel vm13, v7, v10;
	v8 =	vsel vm13, v7, v58;
	v7 =	vor.u32 $0x200, v11  }
0xfb: {  	v9 =	vadd.s32 v7, v9;
	_ =	sdelay $0x2  }
0xfc: {  	s2 =	simm.s32 $0x0  }
0xfd: {  	v10 =	vld.idx.msk [tilespmem:v8+s2+$0x0], $0xffff  }
0xfe: {  	v11 =	vld.idx.msk [tilespmem:v9+s2+$0x0], $0xffff;
	_ =	sdelay $0x3  }
0xff: {  	(xrf1) =	vsort.dscd.msk.f32 $0xffff, v10, v8  }
0x100: {  	(xrf1) =	vsort.ascd.msk.f32 $0xffff, v11, v9;
	_ =	sdelay $0x2  }
0x101: {  	_, v8, _ =	vpop (xrf1)  }
0x102: {  	v8 =	vand.u32 $0xFFFFFCFF, v8  }
0x103: {  	v9 =	vperm.xlane v8, v6;
	_ =	sdelay $0x1  }
0x104: {  	v10 =	vadd.s32 $0x100, v9  }
0x105: {  	v10 =	vsel vm13, v8, v10;
	v8 =	vsel vm13, v8, v9  }
0x106: {  	v8 =	vadd.s32 v7, v8;
	_ =	sdelay $0x3  }
0x107: {  	v59 =	vld.idx.msk [tilespmem:v10+s14+$0x0], $0xffff;
	v9, v11, _ =	vpop (xrf1)  }
0x108: {  	v62 =	vld.idx.msk [tilespmem:v8+s14+$0x0], $0xffff;
	v61, v60, _ =	vpop (xrf1)  }
0x109: {  	vm14 =	vge.f32 v9, v61  }
0x10a: {  	v9 =	vsel vm14, v9, v61;
	v11 =	vsel vm14, v11, v60  }
0x10b: {  	(xrf1) =	vsort.dscd.msk.f32 $0xffff, v9, v11  }
0x10c: {  	(xrf1) =	vsort.ascd.msk.f32 $0xffff, v59, v10  }
0x10d: {  	(xrf1) =	vsort.dscd.msk.f32 $0xffff, v62, v8;
	_ =	sdelay $0xb  }
0x10e: {  	_, v8, _ =	vpop (xrf1)  }
0x10f: {  	v9, v10, _ =	vpop (xrf1)  }
0x110: {  	v11, v63, _ =	vpop (xrf1)  }
0x111: {  	vm15 =	vle.f32 v9, v11  }
0x112: {  	v9 =	vsel vm15, v9, v11;
	v10 =	vsel vm15, v10, v63  }
0x113: {  	(xrf1) =	vsort.ascd.msk.f32 $0xffff, v9, v10;
	_ =	sdelay $0xd  }
0x114: {  	_, v9, _ =	vpop (xrf1)  }
0x115: {  	v9 =	vperm.xlane v9, v6;
	_ =	sdelay $0x1  }
0x116: {  	v9 =	vsel vm13, v8, v9;
	_ =	sdelay $0x1  }
0x117: {  	s30 =	sshll.u32 s28, $0x1;
	s31 =	rddreg [dreg:$0x4]  }
0x118: {  	p1 =	seq.s32 s28, $0xF;
	s29 =	sadd.s32 s31, s30  }
0x119: {  	s3 =	simm.s32 @!p1 $0x400;
	s0 =	sadd.s32 @!p1 $0x2, s29  }
0x11a: {  	s7 =	simm.s32 @!p1 $0x0;
	s1 =	sshll.u32 @!p1 s0, $0x8;
	s0 =	sshll.u32 @!p1 s0, $0x4;
	v10 =	vimm.s32 $0x0;
	[tilespmem:v9+s19+$0x0] =	vst.idx.msk $0xffff, v4  }
0x11b: {  	p0 =	seq.s32 @!p1 s28, $0x0;
	s1 =	sand.u32 @!p1 $0xFFFF800, s1;
	s0 =	sand.u32 @!p1 $0x60, s0;
	v10 =	vsel vm13, $0xFFFFFFFF, v10;
	[tilespmem:v9+s19+$0x0] =	vst.idx.msk $0xff, v0  }
0x11c: {  	p0 =	por p1, !p0;
	s0 =	sor.u32 @!p1 s0, s1;
	s1 =	rddreg [dreg:$0x0];
	[tilespmem:$0x1FFA0] =	vst v10;
	v10 =	vld.idx.msk [tilespmem:v9+s19+$0x0], $0xffff  }
.Ltmp1:
0x11d: {  	s1 =	sadd.s32 @!p1 s1, s0;
	v8 =	vld.idx.msk [tilespmem:v9+s2+$0x0], $0xffff;
	s2 =	simm.s32 @!p1 $0x80;
	(pc) =	sbr.rel @!p0 .LBB2_5-.Ltmp1, $4  }
0x11e: {  	v9 =	vld.idx.msk [tilespmem:v9+s14+$0x0], $0xffff;
	[tilespmem:s7], [sflag:$0x1] =	stream.strided.gather @!p1 [hbm4b:s1+s2], $0x800, s3, s2, $0x38  }
0x11f: {  	s1 =	rddreg [dreg:$0x1]  }
0x120: {  	s18 =	simm.s32 $0x0;
	s0 =	sadd.s32 @!p1 s1, s0;
	s1 =	simm.s32 @!p1 $0x1000  }
0x121: {  	[tilespmem:s1], [sflag:$0x2] =	stream.strided.gather @!p1 [hbm4b:s0+s2], $0x800, s3, s2, $0x38;
	[tilespmem:$0x2A00] =	vst v63  }
.Ltmp2:
0x122: {  	(pc) =	sbr.rel .LBB2_7-.Ltmp2, $4  }
0x123: {  	s0 =	simm.s32 $0x5  }
0x124: {  	_ =	swait.ge [sflag:s0], $0x100  }
0x125: {  	[sflag:s0] =	ssyncset.done $0x0  }
0x126: {  	p0 =	por $0x0, $0x0;
	[sflag:s0] =	ssyncadd.s32 $0xFFFFFF00  }
.LBB2_5:
0x127: {  	p0 =	por @!p1 $0x1, $0x1  }
.LBB2_7:
0x128: {  	s2 =	simm.s32 $0x3  }
0x129: {  	s0 =	scvt.s32.f32 s2  }
0x12a: {  	s25 =	simm.s32 $0x0  }
0x12b: {  	vm0 =	vlt.s32 v10, $0x8;
	vm1 =	vcmask $0x3F20;
	s3 =	scvt.s32.f32 s25;
	s0 =	smul.f32 $3.225806360e-02, s0  }
0x12c: {  	s1 =	simm.s32 $0x1;
	vm0 =	vmand vm0, vm1  }
0x12d: {  	s24 =	simm.s32 $0x2;
	s7 =	scvt.s32.f32 s1;
	v8 =	vsel vm0, $0xC1100000, v8;
	v9 =	vsel vm0, $0x41100000, v9;
	s3 =	smul.f32 $3.225806360e-02, s3;
	v10 =	vmov s0  }
0x12e: {  	s8 =	scvt.s32.f32 s24;
	v11 =	vsub.f32 s0, v9;
	s0 =	simm.s32 $0x4;
	v10 =	vsub.f32 v8, v10  }
0x12f: {  	s10 =	simm.s32 $0x7;
	s7 =	smul.f32 $3.225806360e-02, s7;
	v12 =	vmov s3;
	s11 =	scvt.s32.f32 s0  }
0x130: {  	s17 =	scvt.s32.f32 s10;
	s9 =	smul.f32 $3.225806360e-02, s8;
	v13 =	vsub.f32 s3, v9;
	v10 =	vmax.f32 v10, v11;
	v11 =	vsub.f32 v8, v12  }
0x131: {  	v14 =	vsub.f32 s7, v9;
	v12 =	vmov s7;
	s11 =	smul.f32 $3.225806360e-02, s11;
	v10 =	vmax.f32 v10, $0.0e+00  }
0x132: {  	s8 =	simm.s32 $0x6;
	s7 =	smul.f32 $3.225806360e-02, s17;
	v12 =	vsub.f32 v8, v12;
	(xrf1) =	vsort.dscd.msk.f32 $0xffff, v10, v10;
	v10 =	vmax.f32 v11, v13;
	v11 =	vmov s9  }
0x133: {  	s4 =	scvt.s32.f32 s8;
	s3 =	simm.s32 $0x5;
	v13 =	vsub.f32 s9, v9;
	v11 =	vsub.f32 v8, v11  }
0x134: {  	s26 =	scvt.s32.f32 s3;
	v15 =	vsub.f32 s11, v9;
	v16 =	vmov s7;
	v17 =	vsub.f32 s7, v9  }
0x135: {  	s9 =	smul.f32 $3.225806360e-02, s4;
	v12 =	vmax.f32 v12, v14;
	v10 =	vmax.f32 v10, $0.0e+00;
	v11 =	vmax.f32 v11, v13  }
0x136: {  	s26 =	smul.f32 $3.225806360e-02, s26;
	v14 =	vmov s11;
	v16 =	vsub.f32 v8, v16;
	(xrf1) =	vsort.dscd.msk.f32 $0xffff, v10, v10;
	v11 =	vmax.f32 v11, $0.0e+00  }
0x137: {  	v12 =	vmax.f32 v12, $0.0e+00;
	v14 =	vsub.f32 v8, v14;
	v20 =	vmov s9;
	(xrf1) =	vsort.dscd.msk.f32 $0xffff, v11, v11  }
0x138: {  	v18 =	vmov s26;
	v13 =	vsub.f32 v8, v20;
	(xrf1) =	vsort.dscd.msk.f32 $0xffff, v12, v12  }
0x139: {  	s30 =	simm.s32 $0xB;
	v20 =	vsub.f32 s9, v9;
	v10 =	vmax.f32 v14, v15;
	v14 =	vmax.f32 v16, v17  }
0x13a: {  	s12 =	scvt.s32.f32 s30;
	v19 =	vsub.f32 s26, v9;
	s7 =	simm.s32 $0x8;
	v18 =	vsub.f32 v8, v18;
	v12 =	vmax.f32 v14, $0.0e+00  }
0x13b: {  	s5 =	scvt.s32.f32 s7;
	v11 =	vmax.f32 v10, $0.0e+00;
	v13 =	vmax.f32 v13, v20;
	(xrf1) =	vsort.dscd.msk.f32 $0xffff, v12, v12  }
0x13c: {  	s13 =	smul.f32 $3.225806360e-02, s12;
	v10 =	vmax.f32 v18, v19;
	v16 =	vmax.f32 v13, $0.0e+00;
	(xrf1) =	vsort.dscd.msk.f32 $0xffff, v11, v11  }
0x13d: {  	s9 =	simm.s32 $0x9;
	s5 =	smul.f32 $3.225806360e-02, s5;
	v15 =	vmax.f32 v10, $0.0e+00;
	(xrf1) =	vsort.dscd.msk.f32 $0xffff, v16, v16  }
0x13e: {  	s31 =	scvt.s32.f32 s9;
	(xrf1) =	vsort.dscd.msk.f32 $0xffff, v15, v15  }
0x13f: {  	s11 =	simm.s32 $0xA;
	v17 =	vmov s5;
	v18 =	vmov s13;
	v13 =	vadd.s32 s2, v5  }
0x140: {  	s17 =	scvt.s32.f32 s11;
	v10 =	vadd.s32 s24, v5;
	v14 =	vsub.f32 s5, v9;
	v12 =	vadd.s32 s25, v5;
	s25 =	smul.f32 $3.225806360e-02, s31  }
0x141: {  	s26 =	sshll.u32 s28, $0x5;
	v17 =	vsub.f32 v8, v17;
	v19 =	vsub.f32 v8, v18;
	v11 =	vadd.s32 s1, v5  }
0x142: {  	s31 =	sand.u32 $0x60, s26;
	s26 =	simm.s32 $0xC;
	s1 =	smul.f32 $3.225806360e-02, s17;
	v16 =	vsub.f32 s13, v9;
	v20 =	vmov s25;
	v15 =	vsub.f32 s25, v9;
	v18, _, _ =	vpop (xrf1)  }
.LBB2_8:
0x143: {  	p2 =	slt.u32 s26, $0x18  }
0x144: {  	v14 =	vmax.f32 v17, v14;
	v17 =	vsub.f32 v8, v20;
	v20 =	vmov s1;
	[tilespmem:v13+s20+$0x0] =	vst.idx.msk $0xff, v18;
	s25 =	simm.s32 $0x1C;
	v13, _, _ =	vpop (xrf1);
	s2 =	smov.u32 s26;
	s26 =	sadd.s32 $0x4, s26  }
0x145: {  	s5 =	scvt.s32.f32 s2;
	v18 =	vsub.f32 v8, v20;
	v20 =	vsub.f32 s1, v9;
	v16 =	vmax.f32 v19, v16;
	[tilespmem:v12+s20+$0x0] =	vst.idx.msk $0xff, v13;
	v12, _, _ =	vpop (xrf1);
	s1 =	sadd.s32 $0x1, s2  }
0x146: {  	s24 =	sadd.s32 $0x2, s2;
	s12 =	sadd.s32 $0x3, s2;
	v13 =	vmax.f32 v14, $0.0e+00;
	v14 =	vmax.f32 v17, v15;
	v15 =	vmax.f32 v16, $0.0e+00;
	[tilespmem:v10+s20+$0x0] =	vst.idx.msk $0xff, v12;
	v10, _, _ =	vpop (xrf1);
	s13 =	scvt.s32.f32 s1  }
0x147: {  	s4 =	scvt.s32.f32 s12;
	v16 =	vmax.f32 v14, $0.0e+00;
	v12 =	vmax.f32 v18, v20;
	(xrf1) =	vsort.dscd.msk.f32 $0xffff, v15, v15;
	[tilespmem:v11+s20+$0x0] =	vst.idx.msk $0xff, v10;
	s5 =	smul.f32 $3.225806360e-02, s5  }
.Ltmp3:
0x148: {  	s17 =	scvt.s32.f32 s24;
	v10 =	vmax.f32 v12, $0.0e+00;
	(xrf1) =	vsort.dscd.msk.f32 $0xffff, v13, v13;
	v13 =	vadd.s32 s10, v5;
	(pc) =	sbr.rel @p2 .LBB2_8-.Ltmp3, $4  }
0x149: {  	s4 =	smul.f32 $3.225806360e-02, s4;
	v12 =	vadd.s32 s0, v5;
	s0 =	smov.u32 s7;
	s7 =	smov.u32 s2;
	(xrf1) =	vsort.dscd.msk.f32 $0xffff, v10, v10;
	v10 =	vadd.s32 s8, v5  }
0x14a: {  	v11 =	vadd.s32 s3, v5;
	s3 =	smov.u32 s9;
	s9 =	smov.u32 s1;
	s2 =	smul.f32 $3.225806360e-02, s13;
	v15 =	vmov s5;
	v14 =	vsub.f32 s5, v9;
	(xrf1) =	vsort.dscd.msk.f32 $0xffff, v16, v16  }
0x14b: {  	s1 =	smul.f32 $3.225806360e-02, s17;
	s8 =	smov.u32 s11;
	s11 =	smov.u32 s24;
	v17 =	vsub.f32 v8, v15;
	v21 =	vmov s4;
	v16 =	vsub.f32 s4, v9  }
0x14c: {  	s10 =	smov.u32 s30;
	s30 =	smov.u32 s12;
	v20 =	vmov s2;
	v15 =	vsub.f32 s2, v9;
	v19 =	vsub.f32 v8, v21;
	v18, _, _ =	vpop (xrf1)  }
0x14d: {  	v21 =	vmov s1  }
0x14e: {  	v50 =	vsub.f32 s1, v9;
	v21 =	vsub.f32 v8, v21;
	v16 =	vmax.f32 v19, v16  }
0x14f: {  	v14 =	vmax.f32 v17, v14;
	v51 =	vsub.f32 v8, v20;
	v16 =	vmax.f32 v16, $0.0e+00  }
0x150: {  	v14 =	vmax.f32 v14, $0.0e+00;
	v19 =	vmax.f32 v21, v50;
	(xrf1) =	vsort.dscd.msk.f32 $0xffff, v16, v16  }
0x151: {  	v15 =	vmax.f32 v51, v15;
	v52 =	vmax.f32 v19, $0.0e+00;
	(xrf1) =	vsort.dscd.msk.f32 $0xffff, v14, v14  }
0x152: {  	v53 =	vmax.f32 v15, $0.0e+00;
	(xrf1) =	vsort.dscd.msk.f32 $0xffff, v52, v52  }
0x153: {  	(xrf1) =	vsort.dscd.msk.f32 $0xffff, v53, v53;
	_ =	sdelay $0x2  }
0x154: {  	v54 =	vadd.s32 s10, v5  }
0x155: {  	v55, _, _ =	vpop (xrf1);
	[tilespmem:v13+s20+$0x0] =	vst.idx.msk $0xff, v18;
	v56 =	vadd.s32 s0, v5  }
0x156: {  	v58 =	vadd.s32 s8, v5;
	v57, _, _ =	vpop (xrf1);
	[tilespmem:v12+s20+$0x0] =	vst.idx.msk $0xff, v55  }
0x157: {  	v59, _, _ =	vpop (xrf1);
	[tilespmem:v10+s20+$0x0] =	vst.idx.msk $0xff, v57;
	v10 =	vadd.s32 s3, v5  }
0x158: {  	v60 =	vadd.s32 s30, v5;
	[tilespmem:v11+s20+$0x0] =	vst.idx.msk $0xff, v59;
	v11, _, _ =	vpop (xrf1)  }
0x159: {  	v61 =	vadd.s32 s7, v5;
	[tilespmem:v54+s20+$0x0] =	vst.idx.msk $0xff, v11;
	v11, _, _ =	vpop (xrf1)  }
0x15a: {  	v62 =	vadd.s32 s11, v5;
	[tilespmem:v56+s20+$0x0] =	vst.idx.msk $0xff, v11;
	v11, _, _ =	vpop (xrf1)  }
0x15b: {  	v63 =	vadd.s32 s9, v5;
	[tilespmem:v58+s20+$0x0] =	vst.idx.msk $0xff, v11;
	v11, _, _ =	vpop (xrf1)  }
0x15c: {  	[tilespmem:v10+s20+$0x0] =	vst.idx.msk $0xff, v11;
	v10, _, _ =	vpop (xrf1)  }
0x15d: {  	[tilespmem:v60+s20+$0x0] =	vst.idx.msk $0xff, v10;
	v10, _, _ =	vpop (xrf1)  }
0x15e: {  	[tilespmem:v61+s20+$0x0] =	vst.idx.msk $0xff, v10;
	v10, _, _ =	vpop (xrf1)  }
0x15f: {  	[tilespmem:v62+s20+$0x0] =	vst.idx.msk $0xff, v10;
	v10, _, _ =	vpop (xrf1)  }
0x160: {  	[tilespmem:v63+s20+$0x0] =	vst.idx.msk $0xff, v10  }
.LBB2_10:
0x161: {  	s0 =	scvt.s32.f32 s25;
	_ =	sdelay $0x1  }
0x162: {  	s0 =	smul.f32 $3.225806360e-02, s0;
	_ =	sdelay $0x1  }
0x163: {  	v10 =	vmov s0  }
0x164: {  	v11 =	vsub.f32 s0, v9;
	v10 =	vsub.f32 v8, v10;
	_ =	sdelay $0x1  }
0x165: {  	v10 =	vmax.f32 v10, v11  }
0x166: {  	v10 =	vmax.f32 v10, $0.0e+00  }
0x167: {  	(xrf1) =	vsort.dscd.msk.f32 $0xffff, v10, v10;
	_ =	sdelay $0x9  }
0x168: {  	p2 =	sne.s32 s25, $0x1E;
	v10 =	vadd.s32 s25, v5  }
.Ltmp4:
0x169: {  	_ = 	snop;
	(pc) =	sbr.rel @p2 .LBB2_10-.Ltmp4, $3  }
0x16a: {  	_ =	sdelay $0x1  }
0x16b: {  	v11, _, _ =	vpop (xrf1)  }
0x16c: {  	s25 =	sadd.s32 $0x1, s25;
	[tilespmem:v10+s20+$0x0] =	vst.idx.msk $0xff, v11  }
0x16d: {  	s0 =	sshll.u32 s29, $0x5  }
0x16e: {  	s25 =	sadd.s32 s6, s31;
	s30 =	sand.u32 $0x7F00, s0  }
0x16f: {  	s1 =	simm.s32 $0x80;
	s2 =	simm.s32 $0x400;
	s0 =	sadd.s32 s30, s25  }
0x170: {  	[hbm4b:s0+s1] =	stream.strided.scatter [tilespmem:s20], [sflag:$0x5], $0x100, s2, s1, $0x38;
	[tilespmem:$0x2A00] =	vst v63  }
0x171: {  	_ =	swait.ge [sflag:s21], $0x800  }
0x172: {  	[sflag:s21] =	ssyncset.done $0x0  }
0x173: {  	[sflag:s21] =	ssyncadd.s32 $0xFFFFF800  }
0x174: {  	_ =	swait.ge [sflag:s22], $0x800  }
0x175: {  	[sflag:s22] =	ssyncset.done $0x0  }
0x176: {  	s0 =	simm.s32 $0xC00;
	[sflag:s22] =	ssyncadd.s32 $0xFFFFF800  }
0x177: {  	v9 =	vld [tilespmem:s0+$0xFFFFFC30]  }
0x178: {  	v10 =	vld [tilespmem:s0+$0xFFFFFD30]  }
0x179: {  	v11 =	vld [tilespmem:s0+$0xFFFFFE30]  }
0x17a: {  	s3 =	simm.s32 $0x1C00;
	v12 =	vld [tilespmem:s0+$0xFFFFFF30]  }
0x17b: {  	v13 =	vld [tilespmem:s3+$0xFFFFFC30]  }
0x17c: {  	v14 =	vld [tilespmem:s3+$0xFFFFFD30]  }
0x17d: {  	v15 =	vld [tilespmem:s3+$0xFFFFFE30]  }
0x17e: {  	v16 =	vld [tilespmem:s3+$0xFFFFFF30]  }
0x17f: {  	v17 =	vld [tilespmem:s0+$0xFFFFFC20]  }
0x180: {  	v18 =	vld [tilespmem:s0+$0xFFFFFD20]  }
0x181: {  	v19 =	vld [tilespmem:s0+$0xFFFFFE20]  }
0x182: {  	v20 =	vld [tilespmem:s0+$0xFFFFFF20]  }
0x183: {  	v21 =	vld [tilespmem:s3+$0xFFFFFC20]  }
0x184: {  	v22 =	vld [tilespmem:s3+$0xFFFFFD20]  }
0x185: {  	v23 =	vld [tilespmem:s3+$0xFFFFFE20]  }
0x186: {  	v24 =	vld [tilespmem:s3+$0xFFFFFF20]  }
0x187: {  	v25 =	vld [tilespmem:s0+$0xFFFFFC10]  }
0x188: {  	v26 =	vld [tilespmem:s0+$0xFFFFFD10]  }
0x189: {  	v27 =	vld [tilespmem:s0+$0xFFFFFE10]  }
0x18a: {  	v28 =	vld [tilespmem:s0+$0xFFFFFF10]  }
0x18b: {  	v29 =	vld [tilespmem:s3+$0xFFFFFC10]  }
0x18c: {  	v30 =	vld [tilespmem:s0+$0xFFFFFC00]  }
0x18d: {  	v31 =	vld [tilespmem:s0+$0xFFFFFD00]  }
0x18e: {  	v32 =	vld [tilespmem:s0+$0xFFFFFE00]  }
0x18f: {  	v33 =	vld [tilespmem:s0+$0xFFFFFF00]  }
0x190: {  	v34 =	vld [tilespmem:s3+$0xFFFFFC00];
	v8 =	vmax.f32 v9, v10;
	vm5 =	vge.f32 v9, v10  }
0x191: {  	v35 =	vld [tilespmem:s3+$0xFFFFFD00];
	v10 =	vmax.f32 v11, v12;
	vm8 =	vge.f32 v11, v12;
	v9 =	vmin.f32 v13, v14  }
0x192: {  	v36 =	vld [tilespmem:s3+$0xFFFFFE00];
	vm11 =	vle.f32 v13, v14;
	v11 =	vmin.f32 v15, v16;
	vm9 =	vle.f32 v15, v16  }
0x193: {  	v53 =	vld [tilespmem:s3+$0x100];
	v12 =	vmax.f32 v17, v18;
	vm3 =	vge.f32 v17, v18;
	v14 =	vmax.f32 v19, v20  }
0x194: {  	v16 =	vld [tilespmem:s3+$0xFFFFFF00];
	vm6 =	vge.f32 v19, v20;
	v13 =	vmin.f32 v21, v22;
	vm4 =	vle.f32 v21, v22  }
0x195: {  	v17 =	vld [tilespmem:s0+$0x0];
	v18 =	vmax.f32 v25, v26;
	v15 =	vmin.f32 v23, v24;
	vm7 =	vle.f32 v23, v24  }
0x196: {  	v19 =	vld [tilespmem:s0+$0x100];
	vm10 =	vge.f32 v25, v26;
	v20 =	vmax.f32 v27, v28;
	v22 =	vmax.f32 v30, v31  }
0x197: {  	v21 =	vld [tilespmem:s0+$0x200];
	vm0 =	vge.f32 v30, v31;
	v23 =	vmax.f32 v32, v33;
	vm1 =	vge.f32 v32, v33  }
0x198: {  	v24 =	vld [tilespmem:s0+$0x300];
	v25 =	vmin.f32 v34, v35;
	v30 =	vsel vm0, $0x0, v1;
	vm0 =	vle.f32 v34, v35  }
0x199: {  	v26 =	vld [tilespmem:s3+$0x0];
	v33 =	vsel vm1, $0x200, v2;
	v34 =	vsel vm0, $0x0, v1;
	vm0 =	vge.f32 v22, v23  }
0x19a: {  	v54 =	vld [tilespmem:s3+$0x300];
	v22 =	vmax.f32 v22, v23;
	v30 =	vsel vm0, v30, v33;
	vm1 =	vle.f32 v36, v16  }
0x19b: {  	v31 =	vmin.f32 v36, v16;
	v16 =	vld [tilespmem:s3+$0x200];
	v36 =	vsel vm1, $0x200, v2;
	vm1 =	vge.f32 v17, v19  }
0x19c: {  	v55 =	vld [tilespmem:s3+$0xFFFFFD10];
	vm0 =	vge.f32 v27, v28;
	v27 =	vsel vm1, $0x0, v1;
	vm1 =	vle.f32 v25, v31  }
0x19d: {  	v17 =	vmax.f32 v17, v19;
	v19 =	vsel vm1, v34, v36;
	vm1 =	vge.f32 v21, v24  }
0x19e: {  	v56 =	vld [tilespmem:s3+$0xFFFFFF10];
	v21 =	vmax.f32 v21, v24;
	v24 =	vsel vm1, $0x200, v2;
	vm1 =	vle.f32 v26, v53  }
0x19f: {  	v57 =	vld [tilespmem:s0+$0x10];
	v26 =	vmin.f32 v26, v53;
	v58 =	vsel vm1, $0x0, v1;
	vm1 =	vge.f32 v17, v21  }
0x1a0: {  	v28 =	vld [tilespmem:s3+$0xFFFFFE10];
	v38 =	vmin.f32 v16, v54;
	v24 =	vsel vm1, v27, v24;
	vm1 =	vle.f32 v16, v54  }
0x1a1: {  	s7 =	simm.s32 $0x0;
	v37 =	vld [tilespmem:s0+$0x110];
	v16 =	vmin.f32 v29, v55;
	v35 =	vsel vm1, $0x200, v2;
	vm1 =	vle.f32 v26, v38  }
0x1a2: {  	v23 =	vld [tilespmem:s3+$0x10];
	v32 =	vsel vm1, v58, v35;
	vm1 =	vle.f32 v29, v55;
	v29 =	vor.u32 s7, v0  }
0x1a3: {  	v25 =	vmin.f32 v25, v31;
	v31 =	vld [tilespmem:s3+$0x110];
	v30 =	vor.u32 v29, v30  }
0x1a4: {  	(xrf1) =	vsort.ascd.msk.f32 $0xffff, v22, v30  }
0x1a5: {  	v59 =	vld [tilespmem:s0+$0x310];
	v60 =	vmin.f32 v28, v56;
	vm2 =	vle.f32 v28, v56;
	v28 =	vor.u32 s7, v3  }
0x1a6: {  	v17 =	vmax.f32 v17, v21;
	v27 =	vld [tilespmem:s0+$0x210];
	v21 =	vor.u32 v28, v24;
	v19 =	vor.u32 v29, v19  }
0x1a7: {  	v24 =	vsel vm0, $0x200, v2;
	v26 =	vmin.f32 v26, v38;
	vm0 =	vge.f32 v57, v37;
	(xrf1) =	vsort.dscd.msk.f32 $0xffff, v25, v19  }
0x1a8: {  	v62 =	vmin.f32 v16, v60;
	v61 =	vsel vm0, $0x0, v1;
	vm0 =	vle.f32 v23, v31  }
0x1a9: {  	v29 =	vld [tilespmem:s3+$0x210];
	v28 =	vor.u32 v28, v32;
	v22 =	vsel vm10, $0x0, v1;
	v30 =	vmin.f32 v23, v31;
	(xrf1) =	vsort.ascd.msk.f32 $0xffff, v17, v21  }
0x1aa: {  	s26 =	simm.s32 $0x10;
	v31 =	vmax.f32 v18, v20;
	v19 =	vmax.f32 v57, v37;
	v25 =	vld [tilespmem:s3+$0x310];
	v17 =	vsel vm1, $0x0, v1;
	(xrf1) =	vsort.dscd.msk.f32 $0xffff, v26, v28  }
0x1ab: {  	v21 =	vor.u32 s26, v0;
	vm1 =	vge.f32 v27, v59;
	v26 =	vmax.f32 v27, v59  }
0x1ac: {  	v28 =	vsel vm2, $0x200, v2;
	v63 =	vsel vm1, $0x200, v2;
	vm1 =	vge.f32 v18, v20  }
0x1ad: {  	v27 =	vor.u32 s26, v3;
	v18 =	vsel vm1, v22, v24;
	vm1 =	vle.f32 v16, v60  }
0x1ae: {  	v20 =	vsel vm0, $0x0, v1;
	v17 =	vsel vm1, v17, v28;
	vm1 =	vge.f32 v19, v26  }
0x1af: {  	v19 =	vmax.f32 v19, v26;
	v18 =	vor.u32 v21, v18;
	v23 =	vmin.f32 v29, v25  }
0x1b0: {  	v16 =	vld [tilespmem:s0+$0x20];
	vm0 =	vle.f32 v29, v25;
	v22 =	vsel vm1, v61, v63;
	v17 =	vor.u32 v21, v17  }
0x1b1: {  	v28 =	vld [tilespmem:s0+$0x120];
	(xrf1) =	vsort.ascd.msk.f32 $0xffff, v31, v18;
	vm1 =	vle.f32 v30, v23;
	v21 =	vsel vm0, $0x200, v2;
	v22 =	vor.u32 v27, v22  }
0x1b2: {  	v29 =	vimm.f32 $-1.000000020e+30;
	(xrf1) =	vsort.dscd.msk.f32 $0xffff, v62, v17;
	v17 =	vmin.f32 v30, v23;
	v20 =	vsel vm1, v20, v21;
	v24, v25, _ =	vpop (xrf1)  }
0x1b3: {  	(xrf1) =	vsort.ascd.msk.f32 $0xffff, v19, v22;
	v20 =	vor.u32 v27, v20;
	vm0 =	vge.f32 v29, v24  }
0x1b4: {  	v18 =	vld [tilespmem:s0+$0x220];
	(xrf1) =	vsort.dscd.msk.f32 $0xffff, v17, v20;
	v17 =	vsel vm0, v29, v24  }
0x1b5: {  	v23 =	vimm.s32 $0x0;
	v21 =	vimm.f32 $1.000000020e+30;
	v19 =	vld [tilespmem:s0+$0x320];
	v26, v27, _ =	vpop (xrf1)  }
0x1b6: {  	v22 =	vmax.f32 v16, v28;
	v20 =	vld [tilespmem:s3+$0x20];
	v25 =	vsel vm0, v23, v25;
	vm0 =	vle.f32 v21, v26  }
0x1b7: {  	v24 =	vld [tilespmem:s3+$0x120];
	v30, v31, _ =	vpop (xrf1);
	v26 =	vsel vm0, v21, v26;
	v27 =	vsel vm0, v23, v27;
	(xrf1) =	vsort.dscd.msk.f32 $0xffff, v17, v25  }
0x1b8: {  	s9 =	simm.s32 $0x0;
	vm10 =	vge.f32 v16, v28;
	v25 =	vld [tilespmem:s3+$0x220];
	vm0 =	vge.f32 v29, v30;
	(xrf1) =	vsort.ascd.msk.f32 $0xffff, v26, v27;
	v28, v17, _ =	vpop (xrf1)  }
0x1b9: {  	s10 =	simm.s32 $0xC40;
	s8 =	simm.s32 $0x1C00;
	s1 =	simm.s32 $0x20;
	v26 =	vld [tilespmem:s3+$0x320];
	v27 =	vsel vm0, v29, v30;
	v29 =	vsel vm0, v23, v31;
	vm0 =	vle.f32 v21, v28  }
.LBB2_12:
0x1ba: {  	v21 =	vsel vm0, v21, v28;
	v23 =	vsel vm0, v23, v17  }
0x1bb: {  	v28 =	vor.u32 s1, v0;
	(xrf1) =	vsort.dscd.msk.f32 $0xffff, v27, v29;
	v29 =	vor.u32 s1, v3;
	v30 =	vmax.f32 v12, v14  }
0x1bc: {  	v16 =	vld [tilespmem:s10+$0xFFFFFC30];
	v31 =	vmin.f32 v13, v15;
	v33 =	vsel vm7, $0x200, v2;
	vm7 =	vle.f32 v13, v15;
	(xrf1) =	vsort.ascd.msk.f32 $0xffff, v21, v23  }
0x1bd: {  	v17 =	vld [tilespmem:s10+$0xFFFFFD30];
	v13 =	vsel vm10, $0x0, v1;
	v50 =	vmin.f32 v9, v11;
	v27 =	vmax.f32 v18, v19  }
0x1be: {  	v34 =	vld [tilespmem:s0+$0x30];
	vm1 =	vge.f32 v18, v19;
	v23 =	vmin.f32 v20, v24;
	vm2 =	vle.f32 v20, v24  }
0x1bf: {  	v48 =	vld [tilespmem:s10+$0xFFFFFD20];
	v24 =	vmin.f32 v25, v26;
	vm0 =	vle.f32 v25, v26;
	v25 =	vsel vm3, $0x0, v1  }
0x1c0: {  	v57 =	vld [tilespmem:s10+$0xFFFFFC10];
	v26 =	vsel vm6, $0x200, v2;
	vm6 =	vge.f32 v12, v14;
	v14 =	vsel vm4, $0x0, v1  }
0x1c1: {  	v42 =	vld [tilespmem:s10+$0xFFFFFD10];
	vm4 =	vge.f32 v8, v10;
	v32 =	vmax.f32 v22, v27;
	v15 =	vsel vm1, $0x200, v2;
	v35, v36, _ =	vpop (xrf1)  }
0x1c2: {  	v25 =	vsel vm6, v25, v26;
	vm1 =	vge.f32 v22, v27;
	v22 =	vsel vm2, $0x0, v1;
	v26 =	vld [tilespmem:s0+$0x130];
	v27, v37, _ =	vpop (xrf1)  }
0x1c3: {  	v44 =	vld [tilespmem:s10+$0xFFFFFE10];
	v14 =	vsel vm7, v14, v33;
	vm2 =	vle.f32 v23, v24;
	v41 =	vor.u32 v28, v25;
	v45, v38, _ =	vpop (xrf1)  }
0x1c4: {  	v62 =	vld [tilespmem:s10+$0x10];
	v14 =	vor.u32 v28, v14;
	v13 =	vsel vm1, v13, v15;
	v15 =	vsel vm0, $0x200, v2;
	v39, v40, _ =	vpop (xrf1);
	(xrf1) =	vsort.ascd.msk.f32 $0xffff, v30, v41  }
0x1c5: {  	s3 =	sadd.s32 $0x40, s3;
	v63 =	vld [tilespmem:s10+$0x110];
	v13 =	vor.u32 v29, v13;
	v15 =	vsel vm2, v22, v15;
	(xrf1) =	vsort.dscd.msk.f32 $0xffff, v31, v14  }
0x1c6: {  	v21 =	vld [tilespmem:s3+$0xFFFFFD30];
	v15 =	vor.u32 v29, v15;
	v14 =	vmin.f32 v23, v24;
	v24, v25, _ =	vpop (xrf1);
	(xrf1) =	vsort.ascd.msk.f32 $0xffff, v32, v13  }
0x1c7: {  	v28 =	vld [tilespmem:s0+$0x230];
	vm0 =	vge.f32 v24, v35;
	v13 =	vmax.f32 v34, v26;
	v30, v31, _ =	vpop (xrf1);
	(xrf1) =	vsort.dscd.msk.f32 $0xffff, v14, v15  }
0x1c8: {  	v22 =	vld [tilespmem:s0+$0x330];
	v14 =	vsel vm0, v24, v35;
	v46 =	vsel vm0, v25, v36;
	vm0 =	vle.f32 v30, v27  }
0x1c9: {  	v29 =	vld [tilespmem:s8+$0x130];
	v25 =	vsel vm0, v30, v27;
	v27 =	vsel vm0, v31, v37;
	v31, v47, _ =	vpop (xrf1);
	(xrf1) =	vsort.dscd.msk.f32 $0xffff, v14, v46  }
0x1ca: {  	v23 =	vld [tilespmem:s8+$0x30];
	vm0 =	vge.f32 v34, v26;
	vm1 =	vge.f32 v31, v45;
	v15, v26, _ =	vpop (xrf1);
	(xrf1) =	vsort.ascd.msk.f32 $0xffff, v25, v27  }
0x1cb: {  	v53 =	vld [tilespmem:s3+$0xFFFFFE20];
	v27 =	vsel vm1, v31, v45;
	v31 =	vsel vm1, v47, v38;
	vm1 =	vle.f32 v15, v39  }
0x1cc: {  	s25 =	sadd.s32 $0x30, s7;
	v51 =	vsel vm8, $0x200, v2;
	v24 =	vld [tilespmem:s8+$0x230];
	v15 =	vsel vm1, v15, v39;
	v26 =	vsel vm1, v26, v40;
	(xrf1) =	vsort.dscd.msk.f32 $0xffff, v27, v31  }
0x1cd: {  	v49 =	vor.u32 s25, v0;
	vm3 =	vle.f32 v9, v11;
	vm2 =	vge.f32 v28, v22;
	v30 =	vld [tilespmem:s8+$0x330];
	(xrf1) =	vsort.ascd.msk.f32 $0xffff, v15, v26  }
0x1ce: {  	v54 =	vld [tilespmem:s3+$0xFFFFFF20];
	vm10 =	vge.f32 v57, v42;
	vm13 =	vge.f32 v62, v63;
	v11 =	vsel vm2, $0x200, v2  }
0x1cf: {  	v60 =	vld [tilespmem:s3+$0xFFFFFE10];
	v9 =	vsel vm0, $0x0, v1;
	vm6 =	vle.f32 v23, v29;
	v31 =	vmax.f32 v28, v22  }
0x1d0: {  	v18 =	vld [tilespmem:s10+$0xFFFFFE30];
	v22 =	vor.u32 s25, v3;
	v26 =	vmin.f32 v23, v29;
	v29 =	vmax.f32 v8, v10  }
0x1d1: {  	v19 =	vld [tilespmem:s10+$0xFFFFFF30];
	v52 =	vmax.f32 v13, v31;
	v8 =	vsel vm11, $0x0, v1;
	v10 =	vsel vm9, $0x200, v2  }
0x1d2: {  	v20 =	vld [tilespmem:s3+$0xFFFFFC30];
	v23 =	vmin.f32 v24, v30;
	vm1 =	vle.f32 v24, v30;
	v30 =	vsel vm5, $0x0, v1;
	v55, v56, _ =	vpop (xrf1)  }
0x1d3: {  	v12 =	vld [tilespmem:s3+$0xFFFFFE30];
	vm0 =	vge.f32 v13, v31;
	v13 =	vsel vm6, $0x0, v1;
	v30 =	vsel vm4, v30, v51;
	v31, v58, _ =	vpop (xrf1)  }
0x1d4: {  	v14 =	vld [tilespmem:s3+$0xFFFFFF30];
	v8 =	vsel vm3, v8, v10;
	v9 =	vsel vm0, v9, v11;
	v30 =	vor.u32 v49, v30;
	v10, v43, _ =	vpop (xrf1)  }
0x1d5: {  	v25 =	vld [tilespmem:s10+$0xFFFFFC20];
	vm2 =	vle.f32 v26, v23;
	v8 =	vor.u32 v49, v8;
	v11 =	vsel vm1, $0x200, v2;
	v59, v45, _ =	vpop (xrf1);
	(xrf1) =	vsort.ascd.msk.f32 $0xffff, v29, v30  }
0x1d6: {  	v27 =	vld [tilespmem:s10+$0xFFFFFE20];
	v46 =	vor.u32 v22, v9;
	v11 =	vsel vm2, v13, v11;
	(xrf1) =	vsort.dscd.msk.f32 $0xffff, v50, v8  }
0x1d7: {  	v15 =	vld [tilespmem:s10+$0xFFFFFF20];
	v11 =	vor.u32 v22, v11;
	v8 =	vmin.f32 v26, v23;
	v13, v22, _ =	vpop (xrf1);
	(xrf1) =	vsort.ascd.msk.f32 $0xffff, v52, v46  }
0x1d8: {  	vm7 =	vle.f32 v53, v54;
	v29 =	vld [tilespmem:s10+$0xFFFFFF10];
	vm0 =	vge.f32 v13, v55;
	v9, v26, _ =	vpop (xrf1);
	(xrf1) =	vsort.dscd.msk.f32 $0xffff, v8, v11  }
0x1d9: {  	v47 =	vld [tilespmem:s10+$0xFFFFFF00];
	v39 =	vsel vm0, v13, v55;
	v61 =	vsel vm0, v22, v56;
	vm0 =	vle.f32 v9, v31  }
0x1da: {  	v30 =	vld [tilespmem:s3+$0xFFFFFC10];
	v9 =	vsel vm0, v9, v31;
	v13 =	vsel vm0, v26, v58;
	v26, v31, _ =	vpop (xrf1);
	(xrf1) =	vsort.dscd.msk.f32 $0xffff, v39, v61  }
0x1db: {  	vm9 =	vge.f32 v16, v17;
	v23 =	vld [tilespmem:s3+$0xFFFFFD10];
	vm0 =	vge.f32 v26, v10;
	v8, v11, _ =	vpop (xrf1);
	(xrf1) =	vsort.ascd.msk.f32 $0xffff, v9, v13  }
0x1dc: {  	v28 =	vld [tilespmem:s3+$0xFFFFFC20];
	v9 =	vsel vm0, v26, v10;
	v10 =	vsel vm0, v31, v43;
	vm0 =	vle.f32 v8, v59  }
0x1dd: {  	v24 =	vld [tilespmem:s3+$0xFFFFFD20];
	vm8 =	vge.f32 v27, v15;
	vm11 =	vge.f32 v44, v29;
	v13 =	vsel vm0, v8, v59  }
0x1de: {  	v46 =	vld [tilespmem:s10+$0xFFFFFE00];
	v11 =	vsel vm0, v11, v45;
	(xrf1) =	vsort.dscd.msk.f32 $0xffff, v9, v10;
	vm0 =	vge.f32 v18, v19;
	v9 =	vimm.s32 $0x0  }
0x1df: {  	v22 =	vld [tilespmem:s3+$0xFFFFFF10];
	(xrf1) =	vsort.ascd.msk.f32 $0xffff, v13, v11;
	v9 =	vsel vm0, $0xFFFFFFFF, v9;
	vm0 =	vle.f32 v20, v21;
	v11 =	vimm.s32 $0x0  }
0x1e0: {  	v26 =	vld [tilespmem:s10+$0xFFFFFC00];
	vm12 =	vle.f32 v30, v23;
	v8 =	vmax.f32 v16, v17;
	v11 =	vsel vm0, $0xFFFFFFFF, v11  }
0x1e1: {  	v31 =	vld [tilespmem:s10+$0xFFFFFD00];
	vm0 =	vle.f32 v12, v14;
	[tilespmem:$0x1FF50] =	vst v11;
	v11 =	vmin.f32 v12, v14;
	v12 =	vimm.s32 $0x0  }
0x1e2: {  	v10 =	vmax.f32 v18, v19;
	[tilespmem:$0x1FF60] =	vst v9;
	v9 =	vmin.f32 v20, v21;
	v21 =	vld [tilespmem:s3+$0xFFFFFC00];
	v12 =	vsel vm0, $0xFFFFFFFF, v12  }
0x1e3: {  	v13 =	vimm.s32 $0x0;
	vm0 =	vge.f32 v25, v48;
	[tilespmem:$0x1FF70] =	vst v12;
	v12 =	vmax.f32 v25, v48;
	v25 =	vld [tilespmem:s3+$0xFFFFFD00]  }
0x1e4: {  	v16 =	vmax.f32 v57, v42;
	v17 =	vmax.f32 v44, v29;
	v13 =	vsel vm0, $0xFFFFFFFF, v13;
	v48 =	vld [tilespmem:s3+$0xFFFFFF00]  }
0x1e5: {  	v14 =	vmax.f32 v27, v15;
	vm0 =	vle.f32 v28, v24;
	[tilespmem:$0x1FF80] =	vst v13;
	v13 =	vmin.f32 v28, v24;
	v24 =	vld [tilespmem:s3+$0xFFFFFE00];
	v27, v28, _ =	vpop (xrf1)  }
0x1e6: {  	v51 =	vld [tilespmem:s10+$0x100];
	v18 =	vmin.f32 v30, v23;
	v19 =	vmax.f32 v62, v63;
	vm1 =	vge.f32 v46, v47;
	v29, v49, _ =	vpop (xrf1)  }
0x1e7: {  	v50 =	vld [tilespmem:s10+$0x0];
	vm14 =	vle.f32 v60, v22;
	v20 =	vmin.f32 v60, v22;
	v15 =	vimm.s32 $0x0;
	v23, v30, _ =	vpop (xrf1)  }
0x1e8: {  	v52 =	vmax.f32 v26, v31;
	v15 =	vsel vm0, $0xFFFFFFFF, v15;
	vm0 =	vge.f32 v26, v31;
	v31 =	vld [tilespmem:s10+$0x200];
	v22, v34, _ =	vpop (xrf1)  }
0x1e9: {  	[tilespmem:$0x1FF90] =	vst v15;
	v15 =	vmin.f32 v53, v54;
	v53 =	vmin.f32 v21, v25;
	vm15 =	vle.f32 v21, v25;
	v21 =	vld [tilespmem:s10+$0x300];
	v25, v54, _ =	vpop (xrf1)  }
0x1ea: {  	v58 =	vld [tilespmem:s3+$0x100];
	v55 =	vmin.f32 v24, v48;
	vm2 =	vle.f32 v24, v48;
	vm3 =	vge.f32 v25, v27;
	v57, v56, _ =	vpop (xrf1)  }
0x1eb: {  	v24 =	vld [tilespmem:s3+$0x0];
	v25 =	vsel vm3, v25, v27;
	v27 =	vsel vm3, v54, v28;
	vm3 =	vle.f32 v57, v29  }
0x1ec: {  	v26 =	vmax.f32 v46, v47;
	v43 =	vmin.f32 v53, v55;
	v29 =	vsel vm3, v57, v29;
	v60, v61, _ =	vpop (xrf1)  }
0x1ed: {  	v45 =	vsel vm2, $0x200, v2;
	v28 =	vld [tilespmem:s3+$0x200];
	v59 =	vsel vm3, v56, v49;
	(xrf1) =	vsort.dscd.msk.f32 $0xffff, v25, v27;
	vm3 =	vge.f32 v60, v23  }
0x1ee: {  	s7 =	sadd.s32 $0x40, s7;
	v25 =	vmax.f32 v50, v51;
	v27 =	vld [tilespmem:s3+$0x300];
	v63, v62, _ =	vpop (xrf1);
	vm4 =	vge.f32 v31, v21;
	v23 =	vsel vm3, v60, v23  }
0x1ef: {  	(xrf1) =	vsort.ascd.msk.f32 $0xffff, v29, v59;
	v29 =	vsel vm3, v61, v30;
	vm3 =	vle.f32 v63, v22;
	v30 =	vor.u32 s7, v0  }
0x1f0: {  	vm5 =	vle.f32 v24, v58;
	v22 =	vsel vm3, v63, v22;
	v41 =	vsel vm3, v62, v34  }
0x1f1: {  	v48 =	vsel vm4, $0x200, v2;
	(xrf1) =	vsort.dscd.msk.f32 $0xffff, v23, v29;
	vm3 =	vge.f32 v50, v51;
	v23 =	vmax.f32 v31, v21  }
0x1f2: {  	v29 =	vor.u32 s7, v3;
	v21 =	vmin.f32 v24, v58;
	v31 =	vsel vm1, $0x200, v2;
	(xrf1) =	vsort.ascd.msk.f32 $0xffff, v22, v41  }
0x1f3: {  	v22 =	vmax.f32 v52, v26;
	v24 =	vmin.f32 v28, v27;
	vm6 =	vle.f32 v28, v27  }
0x1f4: {  	v28 =	vsel vm0, $0x0, v1;
	vm0 =	vge.f32 v52, v26;
	v26 =	vsel vm15, $0x0, v1  }
0x1f5: {  	v28 =	vsel vm0, v28, v31;
	vm0 =	vle.f32 v53, v55;
	v31 =	vsel vm3, $0x0, v1  }
0x1f6: {  	v28 =	vor.u32 v30, v28;
	v26 =	vsel vm0, v26, v45;
	vm0 =	vge.f32 v25, v23  }
0x1f7: {  	v23 =	vmax.f32 v25, v23;
	v26 =	vor.u32 v30, v26;
	v30 =	vsel vm5, $0x0, v1  }
0x1f8: {  	(xrf1) =	vsort.ascd.msk.f32 $0xffff, v22, v28;
	v22 =	vsel vm0, v31, v48;
	v31 =	vsel vm6, $0x200, v2;
	vm0 =	vle.f32 v21, v24  }
0x1f9: {  	v46 =	vld [tilespmem:s3+$0x10];
	(xrf1) =	vsort.dscd.msk.f32 $0xffff, v43, v26;
	v22 =	vor.u32 v29, v22;
	v25 =	vsel vm0, v30, v31  }
0x1fa: {  	v47 =	vld [tilespmem:s3+$0x110];
	v21 =	vmin.f32 v21, v24;
	v24 =	vor.u32 v29, v25;
	(xrf1) =	vsort.ascd.msk.f32 $0xffff, v23, v22  }
0x1fb: {  	v26, v28, _ =	vpop (xrf1);
	(xrf1) =	vsort.dscd.msk.f32 $0xffff, v21, v24;
	v21 =	vld [tilespmem:$0x1FF50];
	_ =	sdelay $0x1  }
0x1fc: {  	v44 =	vld [tilespmem:s10+$0x310]  }
0x1fd: {  	v49 =	vld [tilespmem:s3+$0x210]  }
0x1fe: {  	v56 =	vsel vm11, $0x200, v2;
	v50 =	vld [tilespmem:s3+$0x310]  }
0x1ff: {  	vm4 =	vle.f32 v18, v20;
	vm1 =	vle.f32 v46, v47;
	vm11 =	vnez.u8 v21;
	v21 =	vld [tilespmem:$0x1FF60]  }
0x200: {  	v51 =	vmax.f32 v16, v17;
	v27 =	vld [tilespmem:s10+$0x210];
	v52 =	vmin.f32 v18, v20;
	v55 =	vsel vm10, $0x0, v1  }
0x201: {  	vm3 =	vge.f32 v16, v17;
	v16 =	vsel vm12, $0x0, v1;
	v17 =	vsel vm14, $0x200, v2  }
0x202: {  	v18 =	vsel vm13, $0x0, v1;
	v36 =	vsel vm3, v55, v56;
	v16 =	vsel vm4, v16, v17  }
0x203: {  	s26 =	sadd.s32 $0x10, s7;
	v17 =	vld [tilespmem:$0x1FF90];
	vm5 =	vmmov vm9;
	vm6 =	vmmov vm8;
	vm2 =	vle.f32 v49, v50  }
0x204: {  	v31 =	vmin.f32 v49, v50;
	v25 =	vor.u32 s26, v0;
	vm8 =	vnez.u8 v21;
	v21 =	vld [tilespmem:$0x1FF70]  }
0x205: {  	v22 =	vmax.f32 v27, v44;
	vm0 =	vge.f32 v27, v44;
	v27 =	vor.u32 s26, v3  }
0x206: {  	v60 =	vld [tilespmem:s10+$0x120];
	v57 =	vmax.f32 v19, v22;
	v20 =	vsel vm0, $0x200, v2;
	vm0 =	vge.f32 v19, v22  }
0x207: {  	v58 =	vld [tilespmem:s10+$0x20];
	v19 =	vsel vm1, $0x0, v1;
	v22 =	vor.u32 v25, v36;
	v16 =	vor.u32 v25, v16;
	v29, v30, _ =	vpop (xrf1)  }
0x208: {  	vm4 =	vnez.u8 v17;
	v17 =	vsel vm0, v18, v20;
	v24 =	vmin.f32 v46, v47;
	v54, v53, _ =	vpop (xrf1)  }
0x209: {  	v20 =	vsel vm2, $0x200, v2;
	vm1 =	vle.f32 v24, v31;
	vm9 =	vnez.u8 v21;
	v21, v23, _ =	vpop (xrf1);
	(xrf1) =	vsort.ascd.msk.f32 $0xffff, v51, v22  }
0x20a: {  	s9 =	sadd.s32 $0x4, s9;
	v59 =	vld [tilespmem:$0x1FF80];
	v61 =	vor.u32 v27, v17;
	v20 =	vsel vm1, v19, v20;
	(xrf1) =	vsort.dscd.msk.f32 $0xffff, v52, v16  }
0x20b: {  	p2 =	slt.u32 s9, $0xC;
	v18 =	vld [tilespmem:s10+$0x220];
	v25 =	vor.u32 v27, v20;
	v16 =	vmin.f32 v24, v31;
	v27, v31, _ =	vpop (xrf1);
	(xrf1) =	vsort.ascd.msk.f32 $0xffff, v57, v61  }
.Ltmp5:
0x20c: {  	vm10 =	vge.f32 v58, v60;
	v19 =	vld [tilespmem:s10+$0x320];
	vm0 =	vge.f32 v26, v27;
	v17, v62, _ =	vpop (xrf1);
	(xrf1) =	vsort.dscd.msk.f32 $0xffff, v16, v25;
	(pc) =	sbr.rel @p2 .LBB2_12-.Ltmp5, $4  }
0x20d: {  	v20 =	vld [tilespmem:s3+$0x20];
	v63 =	vsel vm0, v26, v27;
	v27 =	vsel vm0, v28, v31;
	vm0 =	vle.f32 v29, v17  }
0x20e: {  	v24 =	vld [tilespmem:s3+$0x120];
	v31 =	vsel vm0, v29, v17;
	v30 =	vsel vm0, v30, v62;
	(xrf1) =	vsort.dscd.msk.f32 $0xffff, v63, v27;
	v16, v29, _ =	vpop (xrf1)  }
0x20f: {  	s1 =	sadd.s32 $0x20, s7;
	vm3 =	vnez.u8 v59;
	v22 =	vmax.f32 v58, v60;
	v25 =	vld [tilespmem:s3+$0x220];
	vm0 =	vge.f32 v54, v16;
	(xrf1) =	vsort.ascd.msk.f32 $0xffff, v31, v30;
	v28, v17, _ =	vpop (xrf1)  }
0x210: {  	s0 =	smov.u32 s10;
	s8 =	smov.u32 s3;
	s10 =	sadd.s32 $0x40, s10;
	v26 =	vld [tilespmem:s3+$0x320];
	v27 =	vsel vm0, v54, v16;
	v29 =	vsel vm0, v53, v29;
	vm0 =	vle.f32 v21, v28  }
0x211: {  	v16 =	vsel vm0, v21, v28  }
0x212: {  	v17 =	vsel vm0, v23, v17;
	v39 =	vor.u32 s1, v0;
	(xrf1) =	vsort.dscd.msk.f32 $0xffff, v27, v29;
	v40 =	vmax.f32 v18, v19  }
0x213: {  	vm12 =	vge.f32 v18, v19;
	v18 =	vor.u32 s1, v3;
	v19 =	vmax.f32 v12, v14  }
0x214: {  	v41 =	vsel vm3, $0x0, v1;
	v42 =	vsel vm6, $0x200, v2;
	vm13 =	vge.f32 v12, v14  }
0x215: {  	v12 =	vsel vm4, $0x0, v1;
	vm14 =	vle.f32 v13, v15;
	v58 =	vmin.f32 v9, v11  }
0x216: {  	v14 =	vsel vm7, $0x200, v2;
	(xrf1) =	vsort.ascd.msk.f32 $0xffff, v16, v17;
	v43 =	vmax.f32 v22, v40;
	vm15 =	vge.f32 v22, v40  }
0x217: {  	v16 =	vmin.f32 v20, v24;
	vm1 =	vle.f32 v20, v24;
	v24 =	vsel vm13, v41, v42  }
0x218: {  	v12 =	vsel vm14, v12, v14;
	v20 =	vmin.f32 v13, v15;
	v24 =	vor.u32 v39, v24  }
0x219: {  	v44 =	vld [tilespmem:s0+$0x30];
	v13 =	vsel vm10, $0x0, v1;
	v15 =	vsel vm12, $0x200, v2;
	v12 =	vor.u32 v39, v12;
	v45, v46, _ =	vpop (xrf1)  }
0x21a: {  	v48 =	vld [tilespmem:s0+$0x130];
	v47 =	vsel vm1, $0x0, v1;
	v17 =	vmin.f32 v25, v26;
	vm2 =	vle.f32 v25, v26;
	v49, v30, _ =	vpop (xrf1)  }
0x21b: {  	v50 =	vld [tilespmem:s0+$0x230];
	v13 =	vsel vm15, v13, v15;
	vm4 =	vle.f32 v16, v17;
	v15 =	vsel vm2, $0x200, v2;
	(xrf1) =	vsort.ascd.msk.f32 $0xffff, v19, v24;
	v14, v31, _ =	vpop (xrf1)  }
0x21c: {  	v51 =	vld [tilespmem:s0+$0x330];
	v13 =	vor.u32 v18, v13;
	v15 =	vsel vm4, v47, v15;
	(xrf1) =	vsort.dscd.msk.f32 $0xffff, v20, v12;
	v19, v24, _ =	vpop (xrf1)  }
0x21d: {  	v15 =	vor.u32 v18, v15;
	v12 =	vmin.f32 v16, v17;
	v16 =	vld [tilespmem:s8+$0x30];
	v17, v18, _ =	vpop (xrf1);
	(xrf1) =	vsort.ascd.msk.f32 $0xffff, v43, v13  }
0x21e: {  	v59 =	vsel vm8, $0x200, v2;
	vm8 =	vge.f32 v8, v10;
	v20 =	vld [tilespmem:s8+$0x130];
	vm6 =	vge.f32 v17, v45;
	v52, v32, _ =	vpop (xrf1);
	(xrf1) =	vsort.dscd.msk.f32 $0xffff, v12, v15  }
0x21f: {  	v12 =	vsel vm6, v17, v45;
	v15 =	vsel vm6, v18, v46;
	vm7 =	vle.f32 v52, v49  }
0x220: {  	v18 =	vsel vm7, v52, v49;
	v53 =	vsel vm7, v32, v30;
	v55, v56, _ =	vpop (xrf1);
	(xrf1) =	vsort.dscd.msk.f32 $0xffff, v12, v15  }
0x221: {  	vm1 =	vge.f32 v44, v48;
	vm10 =	vge.f32 v55, v14;
	(xrf1) =	vsort.ascd.msk.f32 $0xffff, v18, v53  }
0x222: {  	v54 =	vld [tilespmem:s8+$0x330];
	vm13 =	vge.f32 v50, v51;
	v14 =	vsel vm10, v55, v14;
	v18 =	vsel vm10, v56, v31  }
0x223: {  	v13 =	vmax.f32 v44, v48;
	v17 =	vld [tilespmem:s8+$0x230];
	v57 =	vmin.f32 v16, v20;
	(xrf1) =	vsort.dscd.msk.f32 $0xffff, v14, v18  }
0x224: {  	vm14 =	vle.f32 v16, v20;
	v20 =	vmax.f32 v8, v10;
	v8 =	vsel vm11, $0x0, v1;
	v12, v15, _ =	vpop (xrf1)  }
0x225: {  	v10 =	vsel vm9, $0x200, v2;
	vm10 =	vle.f32 v9, v11;
	vm12 =	vle.f32 v12, v19  }
0x226: {  	v9 =	vsel vm1, $0x0, v1;
	v11 =	vsel vm13, $0x200, v2;
	v15 =	vsel vm12, v15, v24  }
0x227: {  	v14 =	vmax.f32 v50, v51;
	v8 =	vsel vm10, v8, v10;
	v12 =	vsel vm12, v12, v19  }
0x228: {  	s4 =	sadd.s32 $0x30, s7;
	v16 =	vmin.f32 v17, v54;
	vm15 =	vle.f32 v17, v54;
	v17 =	vsel vm5, $0x0, v1  }
0x229: {  	v60 =	vmax.f32 v13, v14;
	v19 =	vor.u32 s4, v0;
	v17 =	vsel vm8, v17, v59  }
0x22a: {  	v18 =	vor.u32 s4, v3;
	vm11 =	vge.f32 v13, v14;
	(xrf1) =	vsort.ascd.msk.f32 $0xffff, v12, v15;
	v17 =	vor.u32 v19, v17;
	v12, v15, _ =	vpop (xrf1)  }
0x22b: {  	v13 =	vsel vm14, $0x0, v1;
	vm12 =	vle.f32 v57, v16;
	v9 =	vsel vm11, v9, v11;
	v14, v61, _ =	vpop (xrf1)  }
0x22c: {  	v11 =	vsel vm15, $0x200, v2;
	v8 =	vor.u32 v19, v8;
	v9 =	vor.u32 v18, v9;
	(xrf1) =	vsort.ascd.msk.f32 $0xffff, v20, v17;
	v10, v62, _ =	vpop (xrf1)  }
0x22d: {  	v11 =	vsel vm12, v13, v11;
	(xrf1) =	vsort.dscd.msk.f32 $0xffff, v58, v8;
	v17, v19, _ =	vpop (xrf1)  }
0x22e: {  	v11 =	vor.u32 v18, v11;
	v8 =	vmin.f32 v57, v16;
	(xrf1) =	vsort.ascd.msk.f32 $0xffff, v60, v9;
	v13, v16, _ =	vpop (xrf1)  }
0x22f: {  	(xrf1) =	vsort.dscd.msk.f32 $0xffff, v8, v11;
	vm13 =	vge.f32 v13, v12;
	v9, v18, _ =	vpop (xrf1)  }
0x230: {  	v8 =	vsel vm13, v13, v12;
	v11 =	vsel vm13, v16, v15;
	vm14 =	vle.f32 v9, v14  }
0x231: {  	v9 =	vsel vm14, v9, v14;
	v12 =	vsel vm14, v18, v61;
	v13, v14, _ =	vpop (xrf1);
	(xrf1) =	vsort.dscd.msk.f32 $0xffff, v8, v11  }
0x232: {  	vm15 =	vge.f32 v13, v10;
	(xrf1) =	vsort.ascd.msk.f32 $0xffff, v9, v12  }
0x233: {  	v8 =	vsel vm15, v13, v10;
	v9 =	vsel vm15, v14, v62  }
0x234: {  	(xrf1) =	vsort.dscd.msk.f32 $0xffff, v8, v9;
	_ =	sdelay $0x5  }
0x235: {  	v8, v9, _ =	vpop (xrf1)  }
0x236: {  	v10, v11, _ =	vpop (xrf1)  }
0x237: {  	v12, v13, _ =	vpop (xrf1)  }
0x238: {  	v14, v15, _ =	vpop (xrf1)  }
0x239: {  	v16, v18, _ =	vpop (xrf1)  }
0x23a: {  	vm4 =	vle.f32 v8, v17;
	v20, v63, _ =	vpop (xrf1)  }
0x23b: {  	v8 =	vsel vm4, v8, v17;
	v9 =	vsel vm4, v9, v19;
	v17, v19, _ =	vpop (xrf1)  }
0x23c: {  	(xrf1) =	vsort.ascd.msk.f32 $0xffff, v8, v9;
	vm5 =	vge.f32 v20, v10;
	vm6 =	vle.f32 v17, v12  }
0x23d: {  	v8 =	vsel vm5, v20, v10;
	v9 =	vsel vm5, v63, v11;
	v10 =	vsel vm6, v17, v12;
	v11, v12, _ =	vpop (xrf1)  }
0x23e: {  	v13 =	vsel vm6, v19, v13;
	(xrf1) =	vsort.dscd.msk.f32 $0xffff, v8, v9;
	vm7 =	vge.f32 v11, v14  }
0x23f: {  	(xrf1) =	vsort.ascd.msk.f32 $0xffff, v10, v13;
	v8 =	vsel vm7, v11, v14;
	v9 =	vsel vm7, v12, v15  }
0x240: {  	(xrf1) =	vsort.dscd.msk.f32 $0xffff, v8, v9;
	_ =	sdelay $0xa  }
0x241: {  	v8, v9, _ =	vpop (xrf1)  }
0x242: {  	v10, v11, _ =	vpop (xrf1)  }
0x243: {  	vm8 =	vle.f32 v8, v16;
	v12, v13, _ =	vpop (xrf1)  }
0x244: {  	v8 =	vsel vm8, v8, v16;
	v14, v15, _ =	vpop (xrf1)  }
0x245: {  	v9 =	vsel vm8, v9, v18;
	v14 =	vperm.xlane v14, v6;
	v15 =	vperm.xlane v15, v6  }
0x246: {  	(xrf1) =	vsort.ascd.msk.f32 $0xffff, v8, v9  }
0x247: {  	(xrf1) =	vsort.ascd.msk.f32 $0xffff, v14, v15;
	_ =	sdelay $0xc  }
0x248: {  	v8, v9, _ =	vpop (xrf1)  }
0x249: {  	v14, v15, _ =	vpop (xrf1)  }
0x24a: {  	v8 =	vperm.xlane v8, v6;
	vm9 =	vge.f32 v10, v14  }
0x24b: {  	v9 =	vperm.xlane v9, v6;
	v10 =	vsel vm9, v10, v14;
	v11 =	vsel vm9, v11, v15  }
0x24c: {  	(xrf1) =	vsort.dscd.msk.f32 $0xffff, v10, v11  }
0x24d: {  	(xrf1) =	vsort.dscd.msk.f32 $0xffff, v8, v9;
	_ =	sdelay $0xc  }
0x24e: {  	_, v8, _ =	vpop (xrf1)  }
0x24f: {  	v9, v10, _ =	vpop (xrf1)  }
0x250: {  	vm10 =	vle.f32 v12, v9  }
0x251: {  	v9 =	vsel vm10, v12, v9;
	v10 =	vsel vm10, v13, v10  }
0x252: {  	(xrf1) =	vsort.ascd.msk.f32 $0xffff, v9, v10;
	v9 =	vld [tilespmem:$0x1FFA0];
	_ =	sdelay $0x1  }
0x253: {  	v8 =	vand.u32 $0xFFFFFCFF, v8  }
0x254: {  	v11 =	vperm.xlane v8, v6;
	_ =	sdelay $0x1  }
0x255: {  	v12 =	vadd.s32 $0x100, v11;
	vm11 =	vnez.u8 v9  }
0x256: {  	v9 =	vsel vm11, v8, v12;
	v8 =	vsel vm11, v8, v11  }
0x257: {  	v8 =	vadd.s32 v7, v8;
	_ =	sdelay $0x3  }
0x258: {  	v10 =	vld.idx.msk [tilespmem:v9+s15+$0x0], $0xffff  }
0x259: {  	v11 =	vld.idx.msk [tilespmem:v8+s15+$0x0], $0xffff;
	_ =	sdelay $0x3  }
0x25a: {  	(xrf1) =	vsort.dscd.msk.f32 $0xffff, v10, v9  }
0x25b: {  	(xrf1) =	vsort.ascd.msk.f32 $0xffff, v11, v8;
	_ =	sdelay $0x2  }
0x25c: {  	_, v8, _ =	vpop (xrf1)  }
0x25d: {  	v8 =	vand.u32 $0xFFFFFCFF, v8  }
0x25e: {  	v9 =	vperm.xlane v8, v6;
	_ =	sdelay $0x1  }
0x25f: {  	v10 =	vadd.s32 $0x100, v9  }
0x260: {  	v10 =	vsel vm11, v8, v10;
	v8 =	vsel vm11, v8, v9  }
0x261: {  	v7 =	vadd.s32 v7, v8;
	_ =	sdelay $0x3  }
0x262: {  	v11 =	vld.idx.msk [tilespmem:v10+s16+$0x0], $0xffff;
	v8, v9, _ =	vpop (xrf1)  }
0x263: {  	v14 =	vld.idx.msk [tilespmem:v7+s16+$0x0], $0xffff;
	v12, v13, _ =	vpop (xrf1)  }
0x264: {  	vm12 =	vge.f32 v8, v12  }
0x265: {  	v8 =	vsel vm12, v8, v12;
	v9 =	vsel vm12, v9, v13  }
0x266: {  	(xrf1) =	vsort.dscd.msk.f32 $0xffff, v8, v9  }
0x267: {  	(xrf1) =	vsort.ascd.msk.f32 $0xffff, v11, v10  }
0x268: {  	(xrf1) =	vsort.dscd.msk.f32 $0xffff, v14, v7;
	_ =	sdelay $0xb  }
0x269: {  	_, v7, _ =	vpop (xrf1)  }
0x26a: {  	v8, v9, _ =	vpop (xrf1)  }
0x26b: {  	v10, v11, _ =	vpop (xrf1)  }
0x26c: {  	vm13 =	vle.f32 v8, v10  }
0x26d: {  	v8 =	vsel vm13, v8, v10;
	v9 =	vsel vm13, v9, v11  }
0x26e: {  	(xrf1) =	vsort.ascd.msk.f32 $0xffff, v8, v9;
	_ =	sdelay $0xd  }
0x26f: {  	_, v8, _ =	vpop (xrf1)  }
0x270: {  	v6 =	vperm.xlane v8, v6;
	_ =	sdelay $0x1  }
0x271: {  	v6 =	vsel vm11, v7, v6;
	_ =	sdelay $0x3  }
0x272: {  	s0 =	sadd.s32 @!p1 $0x3, s29  }
0x273: {  	s1 =	sshll.u32 @!p1 s0, $0x8;
	s0 =	sshll.u32 @!p1 s0, $0x4;
	[tilespmem:v6+s19+$0x0] =	vst.idx.msk $0xffff, v4  }
0x274: {  	s1 =	sand.u32 @!p1 $0xFFFF800, s1;
	s0 =	sand.u32 @!p1 $0x70, s0;
	[tilespmem:v6+s19+$0x0] =	vst.idx.msk $0xff, v0  }
0x275: {  	s2 =	simm.s32 @!p1 $0x80;
	s0 =	sor.u32 @!p1 s0, s1;
	s1 =	rddreg [dreg:$0x0];
	v7 =	vld.idx.msk [tilespmem:v6+s19+$0x0], $0xffff  }
0x276: {  	s3 =	simm.s32 @!p1 $0x400;
	s1 =	sadd.s32 @!p1 s1, s0;
	s4 =	simm.s32 @!p1 $0x800;
	v8 =	vld.idx.msk [tilespmem:v6+s15+$0x0], $0xffff  }
0x277: {  	v9 =	vld.idx.msk [tilespmem:v6+s16+$0x0], $0xffff;
	[tilespmem:s4], [sflag:$0x3] =	stream.strided.gather @!p1 [hbm4b:s1+s2], $0x800, s3, s2, $0x38  }
0x278: {  	s7 =	simm.s32 $0x3;
	s1 =	rddreg [dreg:$0x1]  }
0x279: {  	s5 =	scvt.s32.f32 s7;
	s0 =	sadd.s32 @!p1 s1, s0;
	s1 =	simm.s32 @!p1 $0x1800  }
0x27a: {  	[tilespmem:s1], [sflag:$0x4] =	stream.strided.gather @!p1 [hbm4b:s0+s2], $0x800, s3, s2, $0x38;
	[tilespmem:$0x2A00] =	vst v63  }
0x27b: {  	s2 =	simm.s32 $0x0  }
0x27c: {  	s24 =	simm.s32 $0x2;
	s8 =	smul.f32 $3.225806360e-02, s5;
	vm15 =	vcmask $0x3F20;
	s9 =	scvt.s32.f32 s2;
	vm14 =	vlt.s32 v7, $0x8  }
0x27d: {  	s26 =	simm.s32 $0x1;
	s5 =	scvt.s32.f32 s24;
	vm0 =	vmand vm14, vm15  }
0x27e: {  	s10 =	scvt.s32.f32 s26;
	s0 =	simm.s32 $0x4;
	s11 =	smul.f32 $3.225806360e-02, s9;
	v6 =	vsel vm0, $0xC1100000, v8;
	v7 =	vsel vm0, $0x41100000, v9;
	v8 =	vmov s8  }
0x27f: {  	s29 =	simm.s32 $0x7;
	s12 =	smul.f32 $3.225806360e-02, s5;
	s13 =	scvt.s32.f32 s0;
	v9 =	vsub.f32 s8, v7;
	v8 =	vsub.f32 v6, v8  }
0x280: {  	s17 =	scvt.s32.f32 s29;
	s3 =	smul.f32 $3.225806360e-02, s10;
	v10 =	vmov s11  }
0x281: {  	s1 =	simm.s32 @!p0 $0x6;
	s9 =	simm.s32 $0x6;
	s5 =	smul.f32 $3.225806360e-02, s13;
	v11 =	vsub.f32 s11, v7;
	v8 =	vmax.f32 v8, v9;
	v9 =	vsub.f32 v6, v10  }
0x282: {  	_ =	swait.ge @!p0 [sflag:s1], $0x100;
	s25 =	scvt.s32.f32 s9;
	v12 =	vsub.f32 s3, v7;
	v8 =	vmax.f32 v8, $0.0e+00  }
0x283: {  	s8 =	smul.f32 $3.225806360e-02, s17;
	v13 =	vsub.f32 s5, v7;
	(xrf1) =	vsort.dscd.msk.f32 $0xffff, v8, v8;
	v8 =	vmax.f32 v9, v11;
	v9 =	vmov s12  }
0x284: {  	s4 =	smul.f32 $3.225806360e-02, s25;
	v10 =	vmov s3;
	s3 =	simm.s32 $0x5;
	v11 =	vsub.f32 s12, v7;
	v9 =	vsub.f32 v6, v9  }
0x285: {  	v14 =	vmov s8;
	v15 =	vsub.f32 s8, v7;
	v10 =	vsub.f32 v6, v10;
	s10 =	scvt.s32.f32 s3  }
0x286: {  	v18 =	vmov s4;
	v8 =	vmax.f32 v8, $0.0e+00;
	v9 =	vmax.f32 v9, v11  }
0x287: {  	v10 =	vmax.f32 v10, v12;
	v12 =	vmov s5;
	s10 =	smul.f32 $3.225806360e-02, s10;
	(xrf1) =	vsort.dscd.msk.f32 $0xffff, v8, v8;
	v9 =	vmax.f32 v9, $0.0e+00  }
0x288: {  	v14 =	vsub.f32 v6, v14;
	v10 =	vmax.f32 v10, $0.0e+00;
	v12 =	vsub.f32 v6, v12;
	(xrf1) =	vsort.dscd.msk.f32 $0xffff, v9, v9  }
0x289: {  	v16 =	vmov s10;
	v11 =	vsub.f32 v6, v18;
	(xrf1) =	vsort.dscd.msk.f32 $0xffff, v10, v10  }
0x28a: {  	v18 =	vsub.f32 s4, v7;
	v8 =	vmax.f32 v12, v13;
	v12 =	vmax.f32 v14, v15  }
0x28b: {  	s8 =	simm.s32 $0x8;
	v17 =	vsub.f32 s10, v7;
	v16 =	vsub.f32 v6, v16;
	v10 =	vmax.f32 v12, $0.0e+00  }
0x28c: {  	s11 =	simm.s32 $0xB;
	s5 =	scvt.s32.f32 s8;
	v9 =	vmax.f32 v8, $0.0e+00;
	v11 =	vmax.f32 v11, v18;
	(xrf1) =	vsort.dscd.msk.f32 $0xffff, v10, v10  }
0x28d: {  	s13 =	scvt.s32.f32 s11;
	v8 =	vmax.f32 v16, v17;
	v14 =	vmax.f32 v11, $0.0e+00;
	(xrf1) =	vsort.dscd.msk.f32 $0xffff, v9, v9  }
0x28e: {  	s4 =	smul.f32 $3.225806360e-02, s5;
	v13 =	vmax.f32 v8, $0.0e+00;
	(xrf1) =	vsort.dscd.msk.f32 $0xffff, v14, v14  }
0x28f: {  	s10 =	simm.s32 $0x9;
	s5 =	smul.f32 $3.225806360e-02, s13;
	(xrf1) =	vsort.dscd.msk.f32 $0xffff, v13, v13  }
0x290: {  	s25 =	simm.s32 $0xA;
	s12 =	scvt.s32.f32 s10;
	v11 =	vadd.s32 s7, v5  }
0x291: {  	s17 =	scvt.s32.f32 s25;
	v16 =	vmov s5;
	v10 =	vadd.s32 s2, v5  }
0x292: {  	[sflag:s1] =	ssyncset.done @!p0 $0x0;
	v15 =	vmov s4;
	v12 =	vsub.f32 s4, v7;
	v8 =	vadd.s32 s24, v5;
	s24 =	smul.f32 $3.225806360e-02, s12  }
0x293: {  	[sflag:s1] =	ssyncadd.s32 @!p0 $0xFFFFFF00;
	s1 =	smul.f32 $3.225806360e-02, s17;
	v15 =	vsub.f32 v6, v15;
	v17 =	vsub.f32 v6, v16;
	v9 =	vadd.s32 s26, v5  }
0x294: {  	s7 =	sor.u32 $0x10, s31;
	s26 =	simm.s32 $0xC;
	v14 =	vsub.f32 s5, v7;
	v18 =	vmov s24;
	v13 =	vsub.f32 s24, v7;
	v16, _, _ =	vpop (xrf1)  }
.LBB2_14:
0x295: {  	p0 =	slt.u32 s26, $0x18;
	v12 =	vmax.f32 v15, v12;
	v15 =	vsub.f32 v6, v18;
	v18 =	vmov s1;
	[tilespmem:v11+s23+$0x0] =	vst.idx.msk $0xff, v16;
	v11, _, _ =	vpop (xrf1);
	s2 =	smov.u32 s26;
	s26 =	sadd.s32 $0x4, s26  }
0x296: {  	s4 =	scvt.s32.f32 s2;
	v16 =	vsub.f32 v6, v18;
	v18 =	vsub.f32 s1, v7;
	v14 =	vmax.f32 v17, v14;
	[tilespmem:v10+s23+$0x0] =	vst.idx.msk $0xff, v11;
	v10, _, _ =	vpop (xrf1);
	s1 =	sadd.s32 $0x1, s2  }
0x297: {  	s5 =	sadd.s32 $0x2, s2;
	s12 =	sadd.s32 $0x3, s2;
	v11 =	vmax.f32 v12, $0.0e+00;
	v12 =	vmax.f32 v15, v13;
	v13 =	vmax.f32 v14, $0.0e+00;
	[tilespmem:v8+s23+$0x0] =	vst.idx.msk $0xff, v10;
	v8, _, _ =	vpop (xrf1);
	s13 =	scvt.s32.f32 s1  }
0x298: {  	s17 =	scvt.s32.f32 s12;
	v14 =	vmax.f32 v12, $0.0e+00;
	v10 =	vmax.f32 v16, v18;
	(xrf1) =	vsort.dscd.msk.f32 $0xffff, v13, v13;
	[tilespmem:v9+s23+$0x0] =	vst.idx.msk $0xff, v8;
	s4 =	smul.f32 $3.225806360e-02, s4  }
.Ltmp6:
0x299: {  	s24 =	scvt.s32.f32 s5;
	v8 =	vmax.f32 v10, $0.0e+00;
	(xrf1) =	vsort.dscd.msk.f32 $0xffff, v11, v11;
	v11 =	vadd.s32 s29, v5;
	(pc) =	sbr.rel @p0 .LBB2_14-.Ltmp6, $4  }
0x29a: {  	s17 =	smul.f32 $3.225806360e-02, s17;
	v10 =	vadd.s32 s0, v5;
	s0 =	smov.u32 s8;
	s8 =	smov.u32 s2;
	(xrf1) =	vsort.dscd.msk.f32 $0xffff, v8, v8;
	v8 =	vadd.s32 s9, v5  }
0x29b: {  	v9 =	vadd.s32 s3, v5;
	s3 =	smov.u32 s10;
	s10 =	smov.u32 s1;
	s2 =	smul.f32 $3.225806360e-02, s13;
	v13 =	vmov s4;
	v12 =	vsub.f32 s4, v7;
	(xrf1) =	vsort.dscd.msk.f32 $0xffff, v14, v14  }
0x29c: {  	s1 =	smul.f32 $3.225806360e-02, s24;
	s9 =	smov.u32 s25;
	s25 =	smov.u32 s5;
	v15 =	vsub.f32 v6, v13;
	v19 =	vmov s17;
	v14 =	vsub.f32 s17, v7  }
0x29d: {  	s29 =	smov.u32 s11;
	s11 =	smov.u32 s12;
	v18 =	vmov s2;
	v13 =	vsub.f32 s2, v7;
	v17 =	vsub.f32 v6, v19;
	v16, _, _ =	vpop (xrf1)  }
0x29e: {  	v19 =	vmov s1  }
0x29f: {  	v46 =	vsub.f32 s1, v7;
	v19 =	vsub.f32 v6, v19;
	v14 =	vmax.f32 v17, v14  }
0x2a0: {  	v12 =	vmax.f32 v15, v12;
	v47 =	vsub.f32 v6, v18;
	v14 =	vmax.f32 v14, $0.0e+00  }
0x2a1: {  	v12 =	vmax.f32 v12, $0.0e+00;
	v17 =	vmax.f32 v19, v46;
	(xrf1) =	vsort.dscd.msk.f32 $0xffff, v14, v14  }
0x2a2: {  	v13 =	vmax.f32 v47, v13;
	v48 =	vmax.f32 v17, $0.0e+00;
	(xrf1) =	vsort.dscd.msk.f32 $0xffff, v12, v12  }
0x2a3: {  	v49 =	vmax.f32 v13, $0.0e+00;
	(xrf1) =	vsort.dscd.msk.f32 $0xffff, v48, v48  }
0x2a4: {  	(xrf1) =	vsort.dscd.msk.f32 $0xffff, v49, v49;
	_ =	sdelay $0x2  }
0x2a5: {  	v50 =	vadd.s32 s29, v5  }
0x2a6: {  	v51, _, _ =	vpop (xrf1);
	[tilespmem:v11+s23+$0x0] =	vst.idx.msk $0xff, v16;
	v52 =	vadd.s32 s0, v5  }
0x2a7: {  	v54 =	vadd.s32 s9, v5;
	v53, _, _ =	vpop (xrf1);
	[tilespmem:v10+s23+$0x0] =	vst.idx.msk $0xff, v51  }
0x2a8: {  	v55, _, _ =	vpop (xrf1);
	[tilespmem:v8+s23+$0x0] =	vst.idx.msk $0xff, v53;
	v8 =	vadd.s32 s3, v5  }
0x2a9: {  	v57 =	vadd.s32 s11, v5;
	[tilespmem:v9+s23+$0x0] =	vst.idx.msk $0xff, v55;
	v56, _, _ =	vpop (xrf1)  }
0x2aa: {  	v59 =	vadd.s32 s8, v5;
	[tilespmem:v50+s23+$0x0] =	vst.idx.msk $0xff, v56;
	v58, _, _ =	vpop (xrf1)  }
0x2ab: {  	v61 =	vadd.s32 s25, v5;
	[tilespmem:v52+s23+$0x0] =	vst.idx.msk $0xff, v58;
	v60, _, _ =	vpop (xrf1)  }
0x2ac: {  	v63 =	vadd.s32 s10, v5;
	[tilespmem:v54+s23+$0x0] =	vst.idx.msk $0xff, v60;
	v62, _, _ =	vpop (xrf1)  }
0x2ad: {  	[tilespmem:v8+s23+$0x0] =	vst.idx.msk $0xff, v62;
	v8, _, _ =	vpop (xrf1)  }
0x2ae: {  	[tilespmem:v57+s23+$0x0] =	vst.idx.msk $0xff, v8;
	v8, _, _ =	vpop (xrf1)  }
0x2af: {  	[tilespmem:v59+s23+$0x0] =	vst.idx.msk $0xff, v8;
	v8, _, _ =	vpop (xrf1)  }
0x2b0: {  	[tilespmem:v61+s23+$0x0] =	vst.idx.msk $0xff, v8;
	v8, _, _ =	vpop (xrf1)  }
0x2b1: {  	s0 =	simm.s32 $0x1C;
	[tilespmem:v63+s23+$0x0] =	vst.idx.msk $0xff, v8  }
.LBB2_16:
0x2b2: {  	s1 =	scvt.s32.f32 s0;
	_ =	sdelay $0x1  }
0x2b3: {  	s1 =	smul.f32 $3.225806360e-02, s1;
	_ =	sdelay $0x1  }
0x2b4: {  	v8 =	vmov s1  }
0x2b5: {  	v9 =	vsub.f32 s1, v7;
	v8 =	vsub.f32 v6, v8;
	_ =	sdelay $0x1  }
0x2b6: {  	v8 =	vmax.f32 v8, v9  }
0x2b7: {  	v8 =	vmax.f32 v8, $0.0e+00  }
0x2b8: {  	(xrf1) =	vsort.dscd.msk.f32 $0xffff, v8, v8;
	_ =	sdelay $0x9  }
0x2b9: {  	p0 =	sne.s32 s0, $0x1E;
	v8 =	vadd.s32 s0, v5  }
.Ltmp7:
0x2ba: {  	_ = 	snop;
	(pc) =	sbr.rel @p0 .LBB2_16-.Ltmp7, $3  }
0x2bb: {  	_ =	sdelay $0x1  }
0x2bc: {  	v63, _, _ =	vpop (xrf1)  }
0x2bd: {  	s0 =	sadd.s32 $0x1, s0;
	[tilespmem:v8+s23+$0x0] =	vst.idx.msk $0xff, v63  }
0x2be: {  	s28 =	sadd.s32 $0x1, s28  }
0x2bf: {  	p0 =	sne.s32 s28, $0x10  }
.Ltmp8:
0x2c0: {  	_ = 	snop;
	(pc) =	sbr.rel @p0 .LBB2_2-.Ltmp8, $4  }
0x2c1: {  	_ = 	snop  }
0x2c2: {  	s0 =	sadd.s32 s6, s7  }
0x2c3: {  	s1 =	simm.s32 $0x80;
	s2 =	simm.s32 $0x400;
	s0 =	sadd.s32 s30, s0  }
0x2c4: {  	[hbm4b:s0+s1] =	stream.strided.scatter [tilespmem:s23], [sflag:$0x6], $0x100, s2, s1, $0x38;
	[tilespmem:$0x2A00] =	vst v63  }
0x2c5: {  	s0 =	simm.s32 $0x5  }
0x2c6: {  	_ =	swait.ge [sflag:s0], $0x100  }
0x2c7: {  	[sflag:s0] =	ssyncset.done $0x0  }
0x2c8: {  	s1 =	simm.s32 $0x6;
	[sflag:s0] =	ssyncadd.s32 $0xFFFFFF00  }
0x2c9: {  	_ =	swait.ge [sflag:s1], $0x100  }
0x2ca: {  	s2 =	rddreg [dreg:$0xa]  }
0x2cb: {  	s31 =	rddreg [dreg:$0x9];
	s2 =	sadd.s32 $0x1, s2  }
0x2cc: {  	p0 =	sne.s32 s2, s31  }
.Ltmp9:
0x2cd: {  	_ = 	snop;
	(pc) =	sbr.rel @p0 .LBB2_1-.Ltmp9, $3  }
0x2ce: {  	_ =	sdelay $0x1  }
0x2cf: {  	[sflag:s1] =	ssyncset.done $0x0  }
0x2d0: {  	[sflag:s1] =	ssyncadd.s32 $0xFFFFFF00  }
0x2d1: {  	_ =	sfence.sel $0x180000  }
0x2d2: {  	[bflag:$0x0] =	sbarrier.arrive $0xFFFF  }
0x2d3: {  	_ =	strace $0x90000047  }
0x2d4: {  	s0 =	stileid.u32;
	[bflag:$0x2] =	sbarrier.arrive $0xFFFF  }
0x2d5: {  	p0 =	sne.s32 s0, $0x0;
	s0 =	rddreg [dreg:$0x3]  }
0x2d6: {  	s0 =	sadd.s32 @!p0 $0x100000, s0  }
0x2d7: {  	[sflag:s0] =	ssyncadd.tile.s32 @!p0 $0x1;
	_ =	shalt  }
.Lfunc_end2:
_tile_overlayer_lowered:
.L_overlay_start_2:
0x2d8: {  	(tag) =	ssettag $0x2  }
0x2d9: {  	s0 =	rddreg [dreg:$0x0];
	s2 =	stileid.u32  }
0x2da: {  	s1 =	rddreg [dreg:$0x1];
	p0 =	sne.s32 s2, $0x0  }
0x2db: {  	s3 =	rddreg [dreg:$0x2];
	[bflag:$0x3] =	sbarrier.arrive $0xFFFF;
	s2 =	simm.s32 @!p0 $0x1C07  }
0x2dc: {  	[timem:s3], [sflag:s2] =	dma.local @!p0 [hbm:s0], s1  }
0x2dd: {  	s0 =	simm.s32 @!p0 $0x7  }
0x2de: {  	_ =	swait.ge @!p0 [sflag:s0], s1  }
0x2df: {  	s1 =	ssub.s32 @!p0 $0x0, s1;
	[sflag:s0] =	ssyncset.done @!p0 $0x0  }
0x2e0: {  	[sflag:s0] =	ssyncadd.s32 @!p0 s1  }
0x2e1: {  	[bflag:$0x3] =	sbarrier.arrive $0xFFFF  }
0x2e2: {  	_ =	shalt  }

</sc_bundles>
